<compile_context>
chip_gen: v7x
topology: tpu7x:2x2x1
jax: 0.10.2.dev20260603
libtpu: 0.0.44.dev20260713+nightly
codegen_flags: <defaults>
</compile_context>

<pallas_src>
import functools
import jax
import jax.numpy as jnp
from jax import lax
from jax.experimental import pallas as pl
from jax.experimental.pallas import tpu as pltpu
from jax.experimental.pallas import tpu_sc as plsc

NCORE = 2
NSUB = 16
NW = NCORE * NSUB
CHUNK = 128


def _sc_deg_body(cpt, n_pad, dst_hbm, zeros_hbm, ones_hbm, out_hbm,
                 idx_v, ones_v, deg_sh):
    cid = lax.axis_index("c")
    sid = lax.axis_index("s")
    wid = cid * NSUB + sid
    rows_t = n_pad // NSUB

    pltpu.sync_copy(ones_hbm, ones_v)
    pltpu.sync_copy(zeros_hbm.at[pl.ds(sid * rows_t, rows_t)],
                    deg_sh.at[pl.ds(sid * rows_t, rows_t)])
    plsc.subcore_barrier()

    def scat(j, _):
        pltpu.sync_copy(dst_hbm.at[wid, j], idx_v)
        pltpu.sync_copy(ones_v, deg_sh.at[idx_v], add=True)
        return 0

    lax.fori_loop(0, cpt, scat, 0)
    plsc.subcore_barrier()

    pltpu.sync_copy(
        deg_sh.at[pl.ds(sid * rows_t, rows_t)],
        out_hbm.at[cid, pl.ds(sid * rows_t, rows_t)],
    )


def _sc_agg_body(cpt, n_pad, y_hbm, src_hbm, dst_hbm, zeros_hbm, out_hbm,
                 sidx_v, didx_v, rows_v, sem, agg_sh):
    cid = lax.axis_index("c")
    sid = lax.axis_index("s")
    wid = cid * NSUB + sid
    rows_t = n_pad // NSUB

    pltpu.sync_copy(zeros_hbm.at[pl.ds(sid * rows_t, rows_t)],
                    agg_sh.at[pl.ds(sid * rows_t, rows_t)])
    plsc.subcore_barrier()

    def loop(j, _):
        pltpu.sync_copy(src_hbm.at[wid, j], sidx_v)
        pltpu.async_copy(y_hbm.at[sidx_v], rows_v, sem).wait()
        pltpu.sync_copy(dst_hbm.at[wid, j], didx_v)
        pltpu.sync_copy(rows_v, agg_sh.at[didx_v], add=True)
        return 0

    lax.fori_loop(0, cpt, loop, 0)
    plsc.subcore_barrier()

    pltpu.sync_copy(
        agg_sh.at[pl.ds(sid * rows_t, rows_t)],
        out_hbm.at[cid, pl.ds(sid * rows_t, rows_t)],
    )


def _tc_pre_body(x_ref, degp_ref, y16_ref, dinv_ref):
    deg = degp_ref[0, :, 0:1] + degp_ref[1, :, 0:1]
    dinv = lax.rsqrt(deg + 1.0)
    dinv16 = jnp.broadcast_to(dinv, x_ref.shape)
    dinv_ref[...] = dinv16
    y16_ref[...] = x_ref[...] * dinv16


def _tc_main_body(n_nodes, hid,
                  y16_ref, aggp_ref, dinv_ref, h0_ref, gW_ref, gb_ref,
                  Wih_ref, Whh_ref, bih_ref, bhh_ref, fW_ref, fb_ref,
                  out_ref, hlast_ref, gi_scr, ys_scr):
    s = dinv_ref[...] * (aggp_ref[0] + aggp_ref[1] + y16_ref[...])
    dn = (((1,), (1,)), ((), ()))
    Wc = lax.dot_general(gW_ref[...], Wih_ref[...], dn,
                         preferred_element_type=jnp.float32)
    bhh = bhh_ref[...]
    bc = (lax.dot_general(gb_ref[...], Wih_ref[...], dn,
                          preferred_element_type=jnp.float32) + bih_ref[...]
          + jnp.concatenate([bhh[:, 0:2 * hid],
                             jnp.zeros((1, hid), jnp.float32)], axis=1))
    gi_scr[...] = jnp.dot(s, Wc, preferred_element_type=jnp.float32) + bc

    Whh = Whh_ref[...]
    bhh_n = bhh[:, 2 * hid:]
    blk = 8
    n_blk = n_nodes // blk

    def step_one(h, gi):
        gh = lax.dot_general(h, Whh, dn,
                             preferred_element_type=jnp.float32)
        rz = jax.nn.sigmoid(gi[:, 0:2 * hid] + gh[:, 0:2 * hid])
        r = rz[:, 0:hid]
        z = rz[:, hid:2 * hid]
        n = jnp.tanh(gi[:, 2 * hid:] + r * (gh[:, 2 * hid:] + bhh_n))
        return (1.0 - z) * n + z * h

    def block(b, h):
        base = pl.multiple_of(b * blk, blk)
        gi_blk = gi_scr[pl.ds(base, blk), :]
        rows = []
        for k in range(blk):
            h = step_one(h, gi_blk[k:k + 1, :])
            rows.append(h)
        ys_scr[pl.ds(base, blk), :] = jnp.concatenate(rows, axis=0)
        return h

    h_last = lax.fori_loop(0, n_blk, block, h0_ref[...])
    hlast_ref[...] = h_last
    out_ref[...] = lax.dot_general(
        ys_scr[...], fW_ref[...], dn,
        preferred_element_type=jnp.float32) + fb_ref[...]


def kernel(x, edge_index, hidden_state, gcn_W, gcn_b, W_ih, W_hh, b_ih, b_hh,
           fc_W, fc_b):
    n, in_dim = x.shape
    hid = W_hh.shape[1]
    out_dim = fc_W.shape[0]
    e = edge_index.shape[1]
    f32 = jnp.float32

    n_pad = -(-(n + 1) // (NSUB * CHUNK)) * (NSUB * CHUNK)
    cpt = -(-(-(-e // (NW * CHUNK))) // 8) * 8
    e_pad = NW * cpt * CHUNK
    src = edge_index[0].astype(jnp.int32)
    dst = edge_index[1].astype(jnp.int32)
    pad = jnp.full((e_pad - e,), n, jnp.int32)
    src_r = jnp.concatenate([src, pad]).reshape(NW, cpt, CHUNK)
    dst_r = jnp.concatenate([dst, pad]).reshape(NW, cpt, CHUNK)
    x_pad = jnp.pad(x, ((0, n_pad - n), (0, 0)))
    zeros_h = jnp.zeros((n_pad, 16), f32)
    ones_h = jnp.ones((CHUNK, 16), f32)

    mesh = plsc.VectorSubcoreMesh(core_axis_name="c", subcore_axis_name="s")
    sc_params = pltpu.CompilerParams(use_tc_tiling_on_sc=False)

    sc_deg = pl.kernel(
        functools.partial(_sc_deg_body, cpt, n_pad),
        out_type=jax.ShapeDtypeStruct((NCORE, n_pad, 16), f32),
        mesh=mesh,
        compiler_params=sc_params,
        scratch_types=[
            pltpu.VMEM((CHUNK,), jnp.int32),
            pltpu.VMEM((CHUNK, 16), f32),
            pltpu.VMEM_SHARED((n_pad, 16), f32),
        ],
    )
    degp = sc_deg(dst_r, zeros_h, ones_h)

    y16, dinv16 = pl.pallas_call(
        _tc_pre_body,
        out_shape=[jax.ShapeDtypeStruct((n_pad, in_dim), f32),
                   jax.ShapeDtypeStruct((n_pad, in_dim), f32)],
    )(x_pad, degp)

    sc_agg = pl.kernel(
        functools.partial(_sc_agg_body, cpt, n_pad),
        out_type=jax.ShapeDtypeStruct((NCORE, n_pad, 16), f32),
        mesh=mesh,
        compiler_params=sc_params,
        scratch_types=[
            pltpu.VMEM((CHUNK,), jnp.int32),
            pltpu.VMEM((CHUNK,), jnp.int32),
            pltpu.VMEM((CHUNK, 16), f32),
            pltpu.SemaphoreType.DMA,
            pltpu.VMEM_SHARED((n_pad, 16), f32),
        ],
    )
    aggp = sc_agg(y16, src_r, dst_r, zeros_h)

    out4p, h_last = pl.pallas_call(
        functools.partial(_tc_main_body, n, hid),
        out_shape=[jax.ShapeDtypeStruct((n_pad, out_dim), f32),
                   jax.ShapeDtypeStruct((1, hid), f32)],
        scratch_shapes=[pltpu.VMEM((n_pad, 3 * hid), f32),
                        pltpu.VMEM((n_pad, hid), f32)],
    )(y16, aggp, dinv16, hidden_state.reshape(1, hid), gcn_W,
      gcn_b.reshape(1, hid), W_ih, W_hh, b_ih.reshape(1, 3 * hid),
      b_hh.reshape(1, 3 * hid), fc_W, fc_b.reshape(1, out_dim))

    new_x = jnp.concatenate([x[:, :3], out4p[:n], x[:, 7:8]], axis=1)
    return new_x, h_last.reshape(1, 1, hid)

# --- scband reference (transcript-rebuilt; emitter-appended) ---
"""Pipeline reference for scband-recurrent-double-gnn-6279242187233 (READ-ONLY COPY).

The authoritative reference and input builder live on the scoring server;
editing this copy changes nothing except your own understanding.
"""

import jax, jax.numpy as jnp
import numpy as np

N = 10000
E = 640000
IN_DIM = 16
HID = 64
OUT_DIM = 4


def setup_inputs(seed: int = 0):
    key = jax.random.key(seed)
    ks = jax.random.split(key, 10)
    x = jax.random.normal(ks[0], (N, IN_DIM), dtype=jnp.float32)
    edge_index = jax.random.randint(ks[1], (2, E), 0, N)
    hidden_state = jnp.zeros((1, 1, HID), dtype=jnp.float32)
    s_in = 1.0 / np.sqrt(IN_DIM)
    s_h = 1.0 / np.sqrt(HID)
    gcn_W = jax.random.uniform(ks[2], (IN_DIM, HID), jnp.float32, -s_in, s_in)
    gcn_b = jnp.zeros((HID,), jnp.float32)
    W_ih = jax.random.uniform(ks[3], (3 * HID, HID), jnp.float32, -s_h, s_h)
    W_hh = jax.random.uniform(ks[4], (3 * HID, HID), jnp.float32, -s_h, s_h)
    b_ih = jax.random.uniform(ks[5], (3 * HID,), jnp.float32, -s_h, s_h)
    b_hh = jax.random.uniform(ks[6], (3 * HID,), jnp.float32, -s_h, s_h)
    fc_W = jax.random.uniform(ks[7], (OUT_DIM, HID), jnp.float32, -s_h, s_h)
    fc_b = jax.random.uniform(ks[8], (OUT_DIM,), jnp.float32, -s_h, s_h)
    return {"x": x, "edge_index": edge_index, "hidden_state": hidden_state,
            "gcn_W": gcn_W, "gcn_b": gcn_b, "W_ih": W_ih, "W_hh": W_hh,
            "b_ih": b_ih, "b_hh": b_hh, "fc_W": fc_W, "fc_b": fc_b}


def _gcn(x, edge_index, W, b):
    # GCNConv: symmetric-normalized aggregation with self-loops: D^-1/2 (A+I) D^-1/2 X W + b
    n = x.shape[0]
    loops = jnp.arange(n, dtype=edge_index.dtype)
    src = jnp.concatenate([edge_index[0], loops])
    dst = jnp.concatenate([edge_index[1], loops])
    deg = jnp.zeros((n,), x.dtype).at[dst].add(1.0)
    dinv = jnp.where(deg > 0, jax.lax.rsqrt(deg), 0.0)
    xw = x @ W
    norm = dinv[src] * dinv[dst]
    msg = xw[src] * norm[:, None]
    out = jnp.zeros((n, xw.shape[1]), x.dtype).at[dst].add(msg)
    return out + b


def _gru(seq, h0, W_ih, W_hh, b_ih, b_hh):
    # PyTorch GRU, single layer, batch=1; seq: [T, HID], h0: [HID]
    def step(h, x_t):
        gi = x_t @ W_ih.T + b_ih
        gh = h @ W_hh.T + b_hh
        i_r, i_z, i_n = jnp.split(gi, 3)
        h_r, h_z, h_n = jnp.split(gh, 3)
        r = jax.nn.sigmoid(i_r + h_r)
        z = jax.nn.sigmoid(i_z + h_z)
        n_ = jnp.tanh(i_n + r * h_n)
        h_new = (1.0 - z) * n_ + z * h
        return h_new, h_new
    h_last, ys = jax.lax.scan(step, h0, seq)
    return ys, h_last


def reference(x, edge_index, hidden_state, gcn_W, gcn_b, W_ih, W_hh, b_ih, b_hh, fc_W, fc_b):
    new_x = _gcn(x, edge_index, gcn_W, gcn_b)
    h0 = hidden_state.reshape(-1)
    ys, h_last = _gru(new_x, h0, W_ih, W_hh, b_ih, b_hh)
    out = ys @ fc_W.T + fc_b
    new_x_out = jnp.concatenate([x[:, :3], out, x[:, 7].reshape(-1, 1)], axis=1)
    return new_x_out, h_last.reshape(1, 1, -1)

if __name__ == "__main__":
    import jax
    _d = setup_inputs()
    print(jax.jit(kernel)(*tuple(_d.values())))

</pallas_src>

<mosaic_0001>
#map = affine_map<(d0, d1) -> (0, 0, 0)>
#map1 = affine_map<(d0, d1) -> (0, 0)>
module attributes {stable_mosaic.version = 14 : i64} {
  func.func @_sc_deg_body(%arg0: i32, %arg1: i32, %arg2: memref<32x160x128xi32, #tpu.memory_space<hbm>>, %arg3: memref<10240x16xf32, #tpu.memory_space<hbm>>, %arg4: memref<128x16xf32, #tpu.memory_space<hbm>>, %arg5: memref<2x10240x16xf32, #tpu.memory_space<hbm>>, %arg6: memref<128xi32, #tpu.memory_space<vmem>>, %arg7: memref<128x16xf32, #tpu.memory_space<vmem>>, %arg8: memref<10240x16xf32, #tpu.memory_space<vmem_shared>>) attributes {dimension_semantics = [#tpu.dimension_semantics<core_parallel>, #tpu.dimension_semantics<subcore_parallel>], iteration_bounds = array<i64: 2, 16>, scalar_prefetch = 0 : i64, scratch_operands = 3 : i64, tpu.core_type = #tpu.core_type<sc_vector_subcore>, window_params = [{transform_indices = #map}, {transform_indices = #map1}, {transform_indices = #map1}, {transform_indices = #map}]} {
    %mul3A = arith.constant 16 : i32
    %mul3A_0 = arith.muli %arg0, %mul3A : i32
    %add3A = arith.addi %mul3A_0, %arg1 : i32
    "tpu.region"() ({
      %run_scoped3A = tpu.sem_alloc : memref<!tpu.dma_semaphore, #tpu.memory_space<semaphore_mem>>
      tpu.enqueue_dma source(%arg4 : memref<128x16xf32, #tpu.memory_space<hbm>>) target(%arg7 : memref<128x16xf32, #tpu.memory_space<vmem>>) target_semaphore(%run_scoped3A : memref<!tpu.dma_semaphore, #tpu.memory_space<semaphore_mem>>)
      tpu.wait_dma2 semaphore(%run_scoped3A : memref<!tpu.dma_semaphore, #tpu.memory_space<semaphore_mem>>) src(%arg4 : memref<128x16xf32, #tpu.memory_space<hbm>>) dst(%arg7 : memref<128x16xf32, #tpu.memory_space<vmem>>)
      tpu.yield
    }) : () -> ()
    %mul3A_1 = arith.constant 640 : i32
    %mul3A_2 = arith.muli %arg1, %mul3A_1 : i32
    %mul3A_3 = arith.constant 640 : i32
    %mul3A_4 = arith.muli %arg1, %mul3A_3 : i32
    "tpu.region"() ({
      %run_scoped3A = tpu.sem_alloc : memref<!tpu.dma_semaphore, #tpu.memory_space<semaphore_mem>>
      %dma_start3A = arith.constant 0 : i32
      %dma_start3A_16 = tpu.memref_slice %arg8[%mul3A_4, %dma_start3A] : memref<10240x16xf32, #tpu.memory_space<vmem_shared>> -> memref<640x16xf32, #tpu.memory_space<vmem_shared>>
      %dma_start3A_17 = arith.constant 0 : i32
      %dma_start3A_18 = tpu.memref_slice %arg3[%mul3A_2, %dma_start3A_17] : memref<10240x16xf32, #tpu.memory_space<hbm>> -> memref<640x16xf32, #tpu.memory_space<hbm>>
      tpu.enqueue_dma source(%dma_start3A_18 : memref<640x16xf32, #tpu.memory_space<hbm>>) target(%dma_start3A_16 : memref<640x16xf32, #tpu.memory_space<vmem_shared>>) target_semaphore(%run_scoped3A : memref<!tpu.dma_semaphore, #tpu.memory_space<semaphore_mem>>)
      %dma_wait3A = arith.constant 0 : i32
      %dma_wait3A_19 = tpu.memref_slice %arg8[%mul3A_4, %dma_wait3A] : memref<10240x16xf32, #tpu.memory_space<vmem_shared>> -> memref<640x16xf32, #tpu.memory_space<vmem_shared>>
      %dma_wait3A_20 = arith.constant 0 : i32
      %dma_wait3A_21 = tpu.memref_slice %arg3[%mul3A_2, %dma_wait3A_20] : memref<10240x16xf32, #tpu.memory_space<hbm>> -> memref<640x16xf32, #tpu.memory_space<hbm>>
      tpu.wait_dma2 semaphore(%run_scoped3A : memref<!tpu.dma_semaphore, #tpu.memory_space<semaphore_mem>>) src(%dma_wait3A_21 : memref<640x16xf32, #tpu.memory_space<hbm>>) dst(%dma_wait3A_19 : memref<640x16xf32, #tpu.memory_space<vmem_shared>>)
      tpu.yield
    }) : () -> ()
    %barrier3A = arith.constant 0 : index
    tpu.barrier barrier_id(%barrier3A)
    %scan3A = arith.constant 0 : i32
    %scan3A_5 = arith.constant 0 : i32
    %scan3A_6 = arith.constant 160 : i32
    %scan3A_7 = arith.addi %scan3A_5, %scan3A_6 : i32
    %scan3A_8 = arith.constant 1 : i32
    %scan3A_9 = scf.for %scan3A_16 = %scan3A_5 to %scan3A_7 step %scan3A_8 iter_args(%scan3A_17 = %scan3A) -> (i32)  : i32 {
      "tpu.region"() ({
        %run_scoped3A = tpu.sem_alloc : memref<!tpu.dma_semaphore, #tpu.memory_space<semaphore_mem>>
        %dma_start3A = arith.constant 0 : i32
        %dma_start3A_19 = tpu.memref_slice %arg2[%add3A, %scan3A_16, %dma_start3A] : memref<32x160x128xi32, #tpu.memory_space<hbm>> -> memref<1x1x128xi32, #tpu.memory_space<hbm>>
        %dma_start3A_20 = tpu.memref_squeeze %dma_start3A_19 : memref<1x1x128xi32, #tpu.memory_space<hbm>> -> memref<128xi32, #tpu.memory_space<hbm>>
        %dma_start3A_21 = arith.constant 0 : i32
        %dma_start3A_22 = tpu.memref_slice %arg2[%add3A, %scan3A_16, %dma_start3A_21] : memref<32x160x128xi32, #tpu.memory_space<hbm>> -> memref<1x1x128xi32, #tpu.memory_space<hbm>>
        %dma_start3A_23 = tpu.memref_squeeze %dma_start3A_22 : memref<1x1x128xi32, #tpu.memory_space<hbm>> -> memref<128xi32, #tpu.memory_space<hbm>>
        tpu.enqueue_dma source(%dma_start3A_23 : memref<128xi32, #tpu.memory_space<hbm>>) target(%arg6 : memref<128xi32, #tpu.memory_space<vmem>>) target_semaphore(%run_scoped3A : memref<!tpu.dma_semaphore, #tpu.memory_space<semaphore_mem>>)
        %dma_wait3A = arith.constant 0 : i32
        %dma_wait3A_24 = tpu.memref_slice %arg2[%add3A, %scan3A_16, %dma_wait3A] : memref<32x160x128xi32, #tpu.memory_space<hbm>> -> memref<1x1x128xi32, #tpu.memory_space<hbm>>
        %dma_wait3A_25 = tpu.memref_squeeze %dma_wait3A_24 : memref<1x1x128xi32, #tpu.memory_space<hbm>> -> memref<128xi32, #tpu.memory_space<hbm>>
        %dma_wait3A_26 = arith.constant 0 : i32
        %dma_wait3A_27 = tpu.memref_slice %arg2[%add3A, %scan3A_16, %dma_wait3A_26] : memref<32x160x128xi32, #tpu.memory_space<hbm>> -> memref<1x1x128xi32, #tpu.memory_space<hbm>>
        %dma_wait3A_28 = tpu.memref_squeeze %dma_wait3A_27 : memref<1x1x128xi32, #tpu.memory_space<hbm>> -> memref<128xi32, #tpu.memory_space<hbm>>
        tpu.wait_dma2 semaphore(%run_scoped3A : memref<!tpu.dma_semaphore, #tpu.memory_space<semaphore_mem>>) src(%dma_wait3A_28 : memref<128xi32, #tpu.memory_space<hbm>>) dst(%arg6 : memref<128xi32, #tpu.memory_space<vmem>>)
        tpu.yield
      }) : () -> ()
      "tpu.region"() ({
        %run_scoped3A = tpu.sem_alloc : memref<!tpu.dma_semaphore, #tpu.memory_space<semaphore_mem>>
        %dma_start3A = arith.constant 0 : i32
        %dma_start3A_19 = arith.constant 0 : i32
        %dma_start3A_20 = tpu.memref_slice %arg8[%dma_start3A, %dma_start3A_19] : memref<10240x16xf32, #tpu.memory_space<vmem_shared>> -> memref<10240x16xf32, #tpu.memory_space<vmem_shared>>
        tpu.enqueue_indirect_dma source(%arg7 : memref<128x16xf32, #tpu.memory_space<vmem>>) target(%dma_start3A_20 : memref<10240x16xf32, #tpu.memory_space<vmem_shared>>) offsets(%arg6 : memref<128xi32, #tpu.memory_space<vmem>>) semaphore(%run_scoped3A : memref<!tpu.dma_semaphore, #tpu.memory_space<semaphore_mem>>) {add = true}
        %dma_wait3A = arith.constant 0 : i32
        %dma_wait3A_21 = arith.constant 0 : i32
        %dma_wait3A_22 = tpu.memref_slice %arg8[%dma_wait3A, %dma_wait3A_21] : memref<10240x16xf32, #tpu.memory_space<vmem_shared>> -> memref<10240x16xf32, #tpu.memory_space<vmem_shared>>
        tpu.wait_indirect_dma semaphore(%run_scoped3A : memref<!tpu.dma_semaphore, #tpu.memory_space<semaphore_mem>>) src(%arg7 : memref<128x16xf32, #tpu.memory_space<vmem>>) dst(%dma_wait3A_22 : memref<10240x16xf32, #tpu.memory_space<vmem_shared>>)
        tpu.yield
      }) : () -> ()
      %scan3A_18 = arith.constant 0 : i32
      scf.yield %scan3A_18 : i32
    }
    %scan3A_10 = arith.constant 160 : i32
    %barrier3A_11 = arith.constant 0 : index
    tpu.barrier barrier_id(%barrier3A_11)
    %mul3A_12 = arith.constant 640 : i32
    %mul3A_13 = arith.muli %arg1, %mul3A_12 : i32
    %mul3A_14 = arith.constant 640 : i32
    %mul3A_15 = arith.muli %arg1, %mul3A_14 : i32
    "tpu.region"() ({
      %run_scoped3A = tpu.sem_alloc : memref<!tpu.dma_semaphore, #tpu.memory_space<semaphore_mem>>
      %dma_start3A = arith.constant 0 : i32
      %dma_start3A_16 = tpu.memref_slice %arg5[%arg0, %mul3A_15, %dma_start3A] : memref<2x10240x16xf32, #tpu.memory_space<hbm>> -> memref<1x640x16xf32, #tpu.memory_space<hbm>>
      %dma_start3A_17 = tpu.memref_squeeze %dma_start3A_16 : memref<1x640x16xf32, #tpu.memory_space<hbm>> -> memref<640x16xf32, #tpu.memory_space<hbm>>
      %dma_start3A_18 = arith.constant 0 : i32
      %dma_start3A_19 = tpu.memref_slice %arg8[%mul3A_13, %dma_start3A_18] : memref<10240x16xf32, #tpu.memory_space<vmem_shared>> -> memref<640x16xf32, #tpu.memory_space<vmem_shared>>
      tpu.enqueue_dma source(%dma_start3A_19 : memref<640x16xf32, #tpu.memory_space<vmem_shared>>) target(%dma_start3A_17 : memref<640x16xf32, #tpu.memory_space<hbm>>) target_semaphore(%run_scoped3A : memref<!tpu.dma_semaphore, #tpu.memory_space<semaphore_mem>>)
      %dma_wait3A = arith.constant 0 : i32
      %dma_wait3A_20 = tpu.memref_slice %arg5[%arg0, %mul3A_15, %dma_wait3A] : memref<2x10240x16xf32, #tpu.memory_space<hbm>> -> memref<1x640x16xf32, #tpu.memory_space<hbm>>
      %dma_wait3A_21 = tpu.memref_squeeze %dma_wait3A_20 : memref<1x640x16xf32, #tpu.memory_space<hbm>> -> memref<640x16xf32, #tpu.memory_space<hbm>>
      %dma_wait3A_22 = arith.constant 0 : i32
      %dma_wait3A_23 = tpu.memref_slice %arg8[%mul3A_13, %dma_wait3A_22] : memref<10240x16xf32, #tpu.memory_space<vmem_shared>> -> memref<640x16xf32, #tpu.memory_space<vmem_shared>>
      tpu.wait_dma2 semaphore(%run_scoped3A : memref<!tpu.dma_semaphore, #tpu.memory_space<semaphore_mem>>) src(%dma_wait3A_23 : memref<640x16xf32, #tpu.memory_space<vmem_shared>>) dst(%dma_wait3A_21 : memref<640x16xf32, #tpu.memory_space<hbm>>)
      tpu.yield
    }) : () -> ()
    return
  }
}

#map = affine_map<(d0, d1) -> (0, 0)>
#map1 = affine_map<(d0, d1) -> (0, 0, 0)>
module attributes {stable_mosaic.version = 14 : i64} {
  func.func @_sc_agg_body(%arg0: i32, %arg1: i32, %arg2: memref<10240x16xf32, #tpu.memory_space<hbm>>, %arg3: memref<32x160x128xi32, #tpu.memory_space<hbm>>, %arg4: memref<32x160x128xi32, #tpu.memory_space<hbm>>, %arg5: memref<10240x16xf32, #tpu.memory_space<hbm>>, %arg6: memref<2x10240x16xf32, #tpu.memory_space<hbm>>, %arg7: memref<128xi32, #tpu.memory_space<vmem>>, %arg8: memref<128xi32, #tpu.memory_space<vmem>>, %arg9: memref<128x16xf32, #tpu.memory_space<vmem>>, %arg10: memref<!tpu.dma_semaphore, #tpu.memory_space<semaphore_mem>>, %arg11: memref<10240x16xf32, #tpu.memory_space<vmem_shared>>) attributes {dimension_semantics = [#tpu.dimension_semantics<core_parallel>, #tpu.dimension_semantics<subcore_parallel>], iteration_bounds = array<i64: 2, 16>, scalar_prefetch = 0 : i64, scratch_operands = 5 : i64, tpu.core_type = #tpu.core_type<sc_vector_subcore>, window_params = [{transform_indices = #map}, {transform_indices = #map1}, {transform_indices = #map1}, {transform_indices = #map}, {transform_indices = #map1}]} {
    %mul3A = arith.constant 16 : i32
    %mul3A_0 = arith.muli %arg0, %mul3A : i32
    %add3A = arith.addi %mul3A_0, %arg1 : i32
    %mul3A_1 = arith.constant 640 : i32
    %mul3A_2 = arith.muli %arg1, %mul3A_1 : i32
    %mul3A_3 = arith.constant 640 : i32
    %mul3A_4 = arith.muli %arg1, %mul3A_3 : i32
    "tpu.region"() ({
      %run_scoped3A = tpu.sem_alloc : memref<!tpu.dma_semaphore, #tpu.memory_space<semaphore_mem>>
      %dma_start3A = arith.constant 0 : i32
      %dma_start3A_16 = tpu.memref_slice %arg11[%mul3A_4, %dma_start3A] : memref<10240x16xf32, #tpu.memory_space<vmem_shared>> -> memref<640x16xf32, #tpu.memory_space<vmem_shared>>
      %dma_start3A_17 = arith.constant 0 : i32
      %dma_start3A_18 = tpu.memref_slice %arg5[%mul3A_2, %dma_start3A_17] : memref<10240x16xf32, #tpu.memory_space<hbm>> -> memref<640x16xf32, #tpu.memory_space<hbm>>
      tpu.enqueue_dma source(%dma_start3A_18 : memref<640x16xf32, #tpu.memory_space<hbm>>) target(%dma_start3A_16 : memref<640x16xf32, #tpu.memory_space<vmem_shared>>) target_semaphore(%run_scoped3A : memref<!tpu.dma_semaphore, #tpu.memory_space<semaphore_mem>>)
      %dma_wait3A = arith.constant 0 : i32
      %dma_wait3A_19 = tpu.memref_slice %arg11[%mul3A_4, %dma_wait3A] : memref<10240x16xf32, #tpu.memory_space<vmem_shared>> -> memref<640x16xf32, #tpu.memory_space<vmem_shared>>
      %dma_wait3A_20 = arith.constant 0 : i32
      %dma_wait3A_21 = tpu.memref_slice %arg5[%mul3A_2, %dma_wait3A_20] : memref<10240x16xf32, #tpu.memory_space<hbm>> -> memref<640x16xf32, #tpu.memory_space<hbm>>
      tpu.wait_dma2 semaphore(%run_scoped3A : memref<!tpu.dma_semaphore, #tpu.memory_space<semaphore_mem>>) src(%dma_wait3A_21 : memref<640x16xf32, #tpu.memory_space<hbm>>) dst(%dma_wait3A_19 : memref<640x16xf32, #tpu.memory_space<vmem_shared>>)
      tpu.yield
    }) : () -> ()
    %barrier3A = arith.constant 0 : index
    tpu.barrier barrier_id(%barrier3A)
    %scan3A = arith.constant 0 : i32
    %scan3A_5 = arith.constant 0 : i32
    %scan3A_6 = arith.constant 160 : i32
    %scan3A_7 = arith.addi %scan3A_5, %scan3A_6 : i32
    %scan3A_8 = arith.constant 1 : i32
    %scan3A_9 = scf.for %scan3A_16 = %scan3A_5 to %scan3A_7 step %scan3A_8 iter_args(%scan3A_17 = %scan3A) -> (i32)  : i32 {
      "tpu.region"() ({
        %run_scoped3A = tpu.sem_alloc : memref<!tpu.dma_semaphore, #tpu.memory_space<semaphore_mem>>
        %dma_start3A_23 = arith.constant 0 : i32
        %dma_start3A_24 = tpu.memref_slice %arg3[%add3A, %scan3A_16, %dma_start3A_23] : memref<32x160x128xi32, #tpu.memory_space<hbm>> -> memref<1x1x128xi32, #tpu.memory_space<hbm>>
        %dma_start3A_25 = tpu.memref_squeeze %dma_start3A_24 : memref<1x1x128xi32, #tpu.memory_space<hbm>> -> memref<128xi32, #tpu.memory_space<hbm>>
        %dma_start3A_26 = arith.constant 0 : i32
        %dma_start3A_27 = tpu.memref_slice %arg3[%add3A, %scan3A_16, %dma_start3A_26] : memref<32x160x128xi32, #tpu.memory_space<hbm>> -> memref<1x1x128xi32, #tpu.memory_space<hbm>>
        %dma_start3A_28 = tpu.memref_squeeze %dma_start3A_27 : memref<1x1x128xi32, #tpu.memory_space<hbm>> -> memref<128xi32, #tpu.memory_space<hbm>>
        tpu.enqueue_dma source(%dma_start3A_28 : memref<128xi32, #tpu.memory_space<hbm>>) target(%arg7 : memref<128xi32, #tpu.memory_space<vmem>>) target_semaphore(%run_scoped3A : memref<!tpu.dma_semaphore, #tpu.memory_space<semaphore_mem>>)
        %dma_wait3A_29 = arith.constant 0 : i32
        %dma_wait3A_30 = tpu.memref_slice %arg3[%add3A, %scan3A_16, %dma_wait3A_29] : memref<32x160x128xi32, #tpu.memory_space<hbm>> -> memref<1x1x128xi32, #tpu.memory_space<hbm>>
        %dma_wait3A_31 = tpu.memref_squeeze %dma_wait3A_30 : memref<1x1x128xi32, #tpu.memory_space<hbm>> -> memref<128xi32, #tpu.memory_space<hbm>>
        %dma_wait3A_32 = arith.constant 0 : i32
        %dma_wait3A_33 = tpu.memref_slice %arg3[%add3A, %scan3A_16, %dma_wait3A_32] : memref<32x160x128xi32, #tpu.memory_space<hbm>> -> memref<1x1x128xi32, #tpu.memory_space<hbm>>
        %dma_wait3A_34 = tpu.memref_squeeze %dma_wait3A_33 : memref<1x1x128xi32, #tpu.memory_space<hbm>> -> memref<128xi32, #tpu.memory_space<hbm>>
        tpu.wait_dma2 semaphore(%run_scoped3A : memref<!tpu.dma_semaphore, #tpu.memory_space<semaphore_mem>>) src(%dma_wait3A_34 : memref<128xi32, #tpu.memory_space<hbm>>) dst(%arg7 : memref<128xi32, #tpu.memory_space<vmem>>)
        tpu.yield
      }) : () -> ()
      %dma_start3A = arith.constant 0 : i32
      %dma_start3A_18 = arith.constant 0 : i32
      %dma_start3A_19 = tpu.memref_slice %arg2[%dma_start3A, %dma_start3A_18] : memref<10240x16xf32, #tpu.memory_space<hbm>> -> memref<10240x16xf32, #tpu.memory_space<hbm>>
      tpu.enqueue_indirect_dma source(%dma_start3A_19 : memref<10240x16xf32, #tpu.memory_space<hbm>>) target(%arg9 : memref<128x16xf32, #tpu.memory_space<vmem>>) offsets(%arg7 : memref<128xi32, #tpu.memory_space<vmem>>) semaphore(%arg10 : memref<!tpu.dma_semaphore, #tpu.memory_space<semaphore_mem>>)
      %dma_wait3A = arith.constant 0 : i32
      %dma_wait3A_20 = arith.constant 0 : i32
      %dma_wait3A_21 = tpu.memref_slice %arg2[%dma_wait3A, %dma_wait3A_20] : memref<10240x16xf32, #tpu.memory_space<hbm>> -> memref<10240x16xf32, #tpu.memory_space<hbm>>
      tpu.wait_indirect_dma semaphore(%arg10 : memref<!tpu.dma_semaphore, #tpu.memory_space<semaphore_mem>>) src(%dma_wait3A_21 : memref<10240x16xf32, #tpu.memory_space<hbm>>) dst(%arg9 : memref<128x16xf32, #tpu.memory_space<vmem>>)
      "tpu.region"() ({
        %run_scoped3A = tpu.sem_alloc : memref<!tpu.dma_semaphore, #tpu.memory_space<semaphore_mem>>
        %dma_start3A_23 = arith.constant 0 : i32
        %dma_start3A_24 = tpu.memref_slice %arg4[%add3A, %scan3A_16, %dma_start3A_23] : memref<32x160x128xi32, #tpu.memory_space<hbm>> -> memref<1x1x128xi32, #tpu.memory_space<hbm>>
        %dma_start3A_25 = tpu.memref_squeeze %dma_start3A_24 : memref<1x1x128xi32, #tpu.memory_space<hbm>> -> memref<128xi32, #tpu.memory_space<hbm>>
        %dma_start3A_26 = arith.constant 0 : i32
        %dma_start3A_27 = tpu.memref_slice %arg4[%add3A, %scan3A_16, %dma_start3A_26] : memref<32x160x128xi32, #tpu.memory_space<hbm>> -> memref<1x1x128xi32, #tpu.memory_space<hbm>>
        %dma_start3A_28 = tpu.memref_squeeze %dma_start3A_27 : memref<1x1x128xi32, #tpu.memory_space<hbm>> -> memref<128xi32, #tpu.memory_space<hbm>>
        tpu.enqueue_dma source(%dma_start3A_28 : memref<128xi32, #tpu.memory_space<hbm>>) target(%arg8 : memref<128xi32, #tpu.memory_space<vmem>>) target_semaphore(%run_scoped3A : memref<!tpu.dma_semaphore, #tpu.memory_space<semaphore_mem>>)
        %dma_wait3A_29 = arith.constant 0 : i32
        %dma_wait3A_30 = tpu.memref_slice %arg4[%add3A, %scan3A_16, %dma_wait3A_29] : memref<32x160x128xi32, #tpu.memory_space<hbm>> -> memref<1x1x128xi32, #tpu.memory_space<hbm>>
        %dma_wait3A_31 = tpu.memref_squeeze %dma_wait3A_30 : memref<1x1x128xi32, #tpu.memory_space<hbm>> -> memref<128xi32, #tpu.memory_space<hbm>>
        %dma_wait3A_32 = arith.constant 0 : i32
        %dma_wait3A_33 = tpu.memref_slice %arg4[%add3A, %scan3A_16, %dma_wait3A_32] : memref<32x160x128xi32, #tpu.memory_space<hbm>> -> memref<1x1x128xi32, #tpu.memory_space<hbm>>
        %dma_wait3A_34 = tpu.memref_squeeze %dma_wait3A_33 : memref<1x1x128xi32, #tpu.memory_space<hbm>> -> memref<128xi32, #tpu.memory_space<hbm>>
        tpu.wait_dma2 semaphore(%run_scoped3A : memref<!tpu.dma_semaphore, #tpu.memory_space<semaphore_mem>>) src(%dma_wait3A_34 : memref<128xi32, #tpu.memory_space<hbm>>) dst(%arg8 : memref<128xi32, #tpu.memory_space<vmem>>)
        tpu.yield
      }) : () -> ()
      "tpu.region"() ({
        %run_scoped3A = tpu.sem_alloc : memref<!tpu.dma_semaphore, #tpu.memory_space<semaphore_mem>>
        %dma_start3A_23 = arith.constant 0 : i32
        %dma_start3A_24 = arith.constant 0 : i32
        %dma_start3A_25 = tpu.memref_slice %arg11[%dma_start3A_23, %dma_start3A_24] : memref<10240x16xf32, #tpu.memory_space<vmem_shared>> -> memref<10240x16xf32, #tpu.memory_space<vmem_shared>>
        tpu.enqueue_indirect_dma source(%arg9 : memref<128x16xf32, #tpu.memory_space<vmem>>) target(%dma_start3A_25 : memref<10240x16xf32, #tpu.memory_space<vmem_shared>>) offsets(%arg8 : memref<128xi32, #tpu.memory_space<vmem>>) semaphore(%run_scoped3A : memref<!tpu.dma_semaphore, #tpu.memory_space<semaphore_mem>>) {add = true}
        %dma_wait3A_26 = arith.constant 0 : i32
        %dma_wait3A_27 = arith.constant 0 : i32
        %dma_wait3A_28 = tpu.memref_slice %arg11[%dma_wait3A_26, %dma_wait3A_27] : memref<10240x16xf32, #tpu.memory_space<vmem_shared>> -> memref<10240x16xf32, #tpu.memory_space<vmem_shared>>
        tpu.wait_indirect_dma semaphore(%run_scoped3A : memref<!tpu.dma_semaphore, #tpu.memory_space<semaphore_mem>>) src(%arg9 : memref<128x16xf32, #tpu.memory_space<vmem>>) dst(%dma_wait3A_28 : memref<10240x16xf32, #tpu.memory_space<vmem_shared>>)
        tpu.yield
      }) : () -> ()
      %scan3A_22 = arith.constant 0 : i32
      scf.yield %scan3A_22 : i32
    }
    %scan3A_10 = arith.constant 160 : i32
    %barrier3A_11 = arith.constant 0 : index
    tpu.barrier barrier_id(%barrier3A_11)
    %mul3A_12 = arith.constant 640 : i32
    %mul3A_13 = arith.muli %arg1, %mul3A_12 : i32
    %mul3A_14 = arith.constant 640 : i32
    %mul3A_15 = arith.muli %arg1, %mul3A_14 : i32
    "tpu.region"() ({
      %run_scoped3A = tpu.sem_alloc : memref<!tpu.dma_semaphore, #tpu.memory_space<semaphore_mem>>
      %dma_start3A = arith.constant 0 : i32
      %dma_start3A_16 = tpu.memref_slice %arg6[%arg0, %mul3A_15, %dma_start3A] : memref<2x10240x16xf32, #tpu.memory_space<hbm>> -> memref<1x640x16xf32, #tpu.memory_space<hbm>>
      %dma_start3A_17 = tpu.memref_squeeze %dma_start3A_16 : memref<1x640x16xf32, #tpu.memory_space<hbm>> -> memref<640x16xf32, #tpu.memory_space<hbm>>
      %dma_start3A_18 = arith.constant 0 : i32
      %dma_start3A_19 = tpu.memref_slice %arg11[%mul3A_13, %dma_start3A_18] : memref<10240x16xf32, #tpu.memory_space<vmem_shared>> -> memref<640x16xf32, #tpu.memory_space<vmem_shared>>
      tpu.enqueue_dma source(%dma_start3A_19 : memref<640x16xf32, #tpu.memory_space<vmem_shared>>) target(%dma_start3A_17 : memref<640x16xf32, #tpu.memory_space<hbm>>) target_semaphore(%run_scoped3A : memref<!tpu.dma_semaphore, #tpu.memory_space<semaphore_mem>>)
      %dma_wait3A = arith.constant 0 : i32
      %dma_wait3A_20 = tpu.memref_slice %arg6[%arg0, %mul3A_15, %dma_wait3A] : memref<2x10240x16xf32, #tpu.memory_space<hbm>> -> memref<1x640x16xf32, #tpu.memory_space<hbm>>
      %dma_wait3A_21 = tpu.memref_squeeze %dma_wait3A_20 : memref<1x640x16xf32, #tpu.memory_space<hbm>> -> memref<640x16xf32, #tpu.memory_space<hbm>>
      %dma_wait3A_22 = arith.constant 0 : i32
      %dma_wait3A_23 = tpu.memref_slice %arg11[%mul3A_13, %dma_wait3A_22] : memref<10240x16xf32, #tpu.memory_space<vmem_shared>> -> memref<640x16xf32, #tpu.memory_space<vmem_shared>>
      tpu.wait_dma2 semaphore(%run_scoped3A : memref<!tpu.dma_semaphore, #tpu.memory_space<semaphore_mem>>) src(%dma_wait3A_23 : memref<640x16xf32, #tpu.memory_space<vmem_shared>>) dst(%dma_wait3A_21 : memref<640x16xf32, #tpu.memory_space<hbm>>)
      tpu.yield
    }) : () -> ()
    return
  }
}

module attributes {stable_mosaic.version = 14 : i64} {
  func.func @_tc_pre_body(%arg0: memref<10240x16xf32, #tpu.memory_space<vmem>>, %arg1: memref<2x10240x16xf32, #tpu.memory_space<vmem>>, %arg2: memref<10240x16xf32, #tpu.memory_space<vmem>>, %arg3: memref<10240x16xf32, #tpu.memory_space<vmem>>) attributes {dimension_semantics = [], scalar_prefetch = 0 : i64, scratch_operands = 0 : i64, tpu.core_type = #tpu.core_type<tc>} {
    %get3A = arith.constant 0 : index
    %get3A_0 = arith.constant 0 : index
    %get3A_1 = arith.constant 0 : index
    %get3A_2 = vector.load %arg1[%get3A, %get3A_0, %get3A_1] : memref<2x10240x16xf32, #tpu.memory_space<vmem>>, vector<1x10240x1xf32>
    %get3A_3 = vector.shape_cast %get3A_2 : vector<1x10240x1xf32> to vector<10240x1xf32>
    %get3A_4 = arith.constant 1 : index
    %get3A_5 = arith.constant 0 : index
    %get3A_6 = arith.constant 0 : index
    %get3A_7 = vector.load %arg1[%get3A_4, %get3A_5, %get3A_6] : memref<2x10240x16xf32, #tpu.memory_space<vmem>>, vector<1x10240x1xf32>
    %get3A_8 = vector.shape_cast %get3A_7 : vector<1x10240x1xf32> to vector<10240x1xf32>
    %add3A = arith.addf %get3A_3, %get3A_8 : vector<10240x1xf32>
    %add3A_9 = arith.constant 1.000000e+00 : f32
    %add3A_10 = vector.broadcast %add3A_9 : f32 to vector<10240x1xf32>
    %add3A_11 = arith.addf %add3A, %add3A_10 : vector<10240x1xf32>
    %rsqrt3A = math.rsqrt %add3A_11 : vector<10240x1xf32>
    %broadcast_in_dim3A = vector.shape_cast %rsqrt3A : vector<10240x1xf32> to vector<10240x1xf32>
    %broadcast_in_dim3A_12 = vector.broadcast %broadcast_in_dim3A : vector<10240x1xf32> to vector<10240x16xf32>
    %swap3A = arith.constant 0 : index
    %swap3A_13 = arith.constant 0 : index
    %swap3A_14 = vector.load %arg3[%swap3A, %swap3A_13] : memref<10240x16xf32, #tpu.memory_space<vmem>>, vector<10240x16xf32>
    tpu.vector_store %arg3[%swap3A, %swap3A_13], %broadcast_in_dim3A_12 {strides = array<i32>} : memref<10240x16xf32, #tpu.memory_space<vmem>>, vector<10240x16xf32>,
    %get3A_15 = arith.constant 0 : index
    %get3A_16 = arith.constant 0 : index
    %get3A_17 = vector.load %arg0[%get3A_15, %get3A_16] : memref<10240x16xf32, #tpu.memory_space<vmem>>, vector<10240x16xf32>
    %mul3A = arith.mulf %get3A_17, %broadcast_in_dim3A_12 : vector<10240x16xf32>
    %swap3A_18 = arith.constant 0 : index
    %swap3A_19 = arith.constant 0 : index
    %swap3A_20 = vector.load %arg2[%swap3A_18, %swap3A_19] : memref<10240x16xf32, #tpu.memory_space<vmem>>, vector<10240x16xf32>
    tpu.vector_store %arg2[%swap3A_18, %swap3A_19], %mul3A {strides = array<i32>} : memref<10240x16xf32, #tpu.memory_space<vmem>>, vector<10240x16xf32>,
    return
  }
}

module attributes {stable_mosaic.version = 14 : i64} {
  func.func @_tc_main_body(%arg0: memref<10240x16xf32, #tpu.memory_space<vmem>>, %arg1: memref<2x10240x16xf32, #tpu.memory_space<vmem>>, %arg2: memref<10240x16xf32, #tpu.memory_space<vmem>>, %arg3: memref<1x64xf32, #tpu.memory_space<vmem>>, %arg4: memref<16x64xf32, #tpu.memory_space<vmem>>, %arg5: memref<1x64xf32, #tpu.memory_space<vmem>>, %arg6: memref<192x64xf32, #tpu.memory_space<vmem>>, %arg7: memref<192x64xf32, #tpu.memory_space<vmem>>, %arg8: memref<1x192xf32, #tpu.memory_space<vmem>>, %arg9: memref<1x192xf32, #tpu.memory_space<vmem>>, %arg10: memref<4x64xf32, #tpu.memory_space<vmem>>, %arg11: memref<1x4xf32, #tpu.memory_space<vmem>>, %arg12: memref<10240x4xf32, #tpu.memory_space<vmem>>, %arg13: memref<1x64xf32, #tpu.memory_space<vmem>>, %arg14: memref<10240x192xf32, #tpu.memory_space<vmem>>, %arg15: memref<10240x64xf32, #tpu.memory_space<vmem>>) attributes {dimension_semantics = [], scalar_prefetch = 0 : i64, scratch_operands = 2 : i64, tpu.core_type = #tpu.core_type<tc>} {
    %get3A = arith.constant 0 : index
    %get3A_0 = arith.constant 0 : index
    %get3A_1 = vector.load %arg2[%get3A, %get3A_0] : memref<10240x16xf32, #tpu.memory_space<vmem>>, vector<10240x16xf32>
    %get3A_2 = arith.constant 0 : index
    %get3A_3 = arith.constant 0 : index
    %get3A_4 = arith.constant 0 : index
    %get3A_5 = vector.load %arg1[%get3A_2, %get3A_3, %get3A_4] : memref<2x10240x16xf32, #tpu.memory_space<vmem>>, vector<1x10240x16xf32>
    %get3A_6 = vector.shape_cast %get3A_5 : vector<1x10240x16xf32> to vector<10240x16xf32>
    %get3A_7 = arith.constant 1 : index
    %get3A_8 = arith.constant 0 : index
    %get3A_9 = arith.constant 0 : index
    %get3A_10 = vector.load %arg1[%get3A_7, %get3A_8, %get3A_9] : memref<2x10240x16xf32, #tpu.memory_space<vmem>>, vector<1x10240x16xf32>
    %get3A_11 = vector.shape_cast %get3A_10 : vector<1x10240x16xf32> to vector<10240x16xf32>
    %add3A = arith.addf %get3A_6, %get3A_11 : vector<10240x16xf32>
    %get3A_12 = arith.constant 0 : index
    %get3A_13 = arith.constant 0 : index
    %get3A_14 = vector.load %arg0[%get3A_12, %get3A_13] : memref<10240x16xf32, #tpu.memory_space<vmem>>, vector<10240x16xf32>
    %add3A_15 = arith.addf %add3A, %get3A_14 : vector<10240x16xf32>
    %mul3A = arith.mulf %get3A_1, %add3A_15 : vector<10240x16xf32>
    %get3A_16 = arith.constant 0 : index
    %get3A_17 = arith.constant 0 : index
    %get3A_18 = vector.load %arg4[%get3A_16, %get3A_17] : memref<16x64xf32, #tpu.memory_space<vmem>>, vector<16x64xf32>
    %get3A_19 = arith.constant 0 : index
    %get3A_20 = arith.constant 0 : index
    %get3A_21 = vector.load %arg6[%get3A_19, %get3A_20] : memref<192x64xf32, #tpu.memory_space<vmem>>, vector<192x64xf32>
    %dot_general3A = arith.constant dense<0.000000e+00> : vector<16x192xf32>
    %dot_general3A_22 = tpu.matmul %get3A_18, %get3A_21, %dot_general3A {dimension_numbers = #tpu.dot_dimension_numbers<[1], [1], [0], [0], [0, 0, 1, 0], [], []>, transpose_lhs_hint = false} : vector<16x64xf32>, vector<192x64xf32>, vector<16x192xf32> -> vector<16x192xf32>
    %get3A_23 = arith.constant 0 : index
    %get3A_24 = arith.constant 0 : index
    %get3A_25 = vector.load %arg9[%get3A_23, %get3A_24] : memref<1x192xf32, #tpu.memory_space<vmem>>, vector<1x192xf32>
    %get3A_26 = arith.constant 0 : index
    %get3A_27 = arith.constant 0 : index
    %get3A_28 = vector.load %arg5[%get3A_26, %get3A_27] : memref<1x64xf32, #tpu.memory_space<vmem>>, vector<1x64xf32>
    %get3A_29 = arith.constant 0 : index
    %get3A_30 = arith.constant 0 : index
    %get3A_31 = vector.load %arg6[%get3A_29, %get3A_30] : memref<192x64xf32, #tpu.memory_space<vmem>>, vector<192x64xf32>
    %dot_general3A_32 = arith.constant dense<0.000000e+00> : vector<1x192xf32>
    %dot_general3A_33 = tpu.matmul %get3A_28, %get3A_31, %dot_general3A_32 {dimension_numbers = #tpu.dot_dimension_numbers<[1], [1], [0], [0], [0, 0, 1, 0], [], []>, transpose_lhs_hint = false} : vector<1x64xf32>, vector<192x64xf32>, vector<1x192xf32> -> vector<1x192xf32>
    %get3A_34 = arith.constant 0 : index
    %get3A_35 = arith.constant 0 : index
    %get3A_36 = vector.load %arg8[%get3A_34, %get3A_35] : memref<1x192xf32, #tpu.memory_space<vmem>>, vector<1x192xf32>
    %add3A_37 = arith.addf %dot_general3A_33, %get3A_36 : vector<1x192xf32>
    %slice3A = vector.extract_strided_slice %get3A_25 {offsets = [0, 0], sizes = [1, 128], strides = [1, 1]} : vector<1x192xf32> to vector<1x128xf32>
    %broadcast_in_dim3A = arith.constant 0.000000e+00 : f32
    %broadcast_in_dim3A_38 = vector.broadcast %broadcast_in_dim3A : f32 to vector<1x64xf32>
    %concatenate3A = tpu.concatenate %slice3A, %broadcast_in_dim3A_38 in 1 : vector<1x128xf32>, vector<1x64xf32> -> vector<1x192xf32>
    %add3A_39 = arith.addf %add3A_37, %concatenate3A : vector<1x192xf32>
    %dot_general3A_40 = arith.constant dense<0.000000e+00> : vector<10240x192xf32>
    %dot_general3A_41 = tpu.matmul %mul3A, %dot_general3A_22, %dot_general3A_40 {dimension_numbers = #tpu.dot_dimension_numbers<[1], [0], [0], [1], [0, 0, 1, 1], [], []>, transpose_lhs_hint = false} : vector<10240x16xf32>, vector<16x192xf32>, vector<10240x192xf32> -> vector<10240x192xf32>
    %add3A_42 = vector.broadcast %add3A_39 : vector<1x192xf32> to vector<10240x192xf32>
    %add3A_43 = arith.addf %dot_general3A_41, %add3A_42 : vector<10240x192xf32>
    %swap3A = arith.constant 0 : index
    %swap3A_44 = arith.constant 0 : index
    %swap3A_45 = vector.load %arg14[%swap3A, %swap3A_44] : memref<10240x192xf32, #tpu.memory_space<vmem>>, vector<10240x192xf32>
    tpu.vector_store %arg14[%swap3A, %swap3A_44], %add3A_43 {strides = array<i32>} : memref<10240x192xf32, #tpu.memory_space<vmem>>, vector<10240x192xf32>,
    %get3A_46 = arith.constant 0 : index
    %get3A_47 = arith.constant 0 : index
    %get3A_48 = vector.load %arg7[%get3A_46, %get3A_47] : memref<192x64xf32, #tpu.memory_space<vmem>>, vector<192x64xf32>
    %slice3A_49 = vector.extract_strided_slice %get3A_25 {offsets = [0, 128], sizes = [1, 64], strides = [1, 1]} : vector<1x192xf32> to vector<1x64xf32>
    %get3A_50 = arith.constant 0 : index
    %get3A_51 = arith.constant 0 : index
    %get3A_52 = vector.load %arg3[%get3A_50, %get3A_51] : memref<1x64xf32, #tpu.memory_space<vmem>>, vector<1x64xf32>
    %scan3A = arith.constant 0 : i32
    %scan3A_53 = arith.constant 1250 : i32
    %scan3A_54 = arith.addi %scan3A, %scan3A_53 : i32
    %scan3A_55 = arith.constant 1 : i32
    %scan3A_56 = scf.for %scan3A_77 = %scan3A to %scan3A_54 step %scan3A_55 iter_args(%scan3A_78 = %get3A_52) -> (vector<1x64xf32>)  : i32 {
      %mul3A_79 = arith.constant 8 : i32
      %mul3A_80 = arith.muli %scan3A_77, %mul3A_79 : i32
      %multiple_of3A = tpu.assume_multiple %mul3A_80, 8 : i32
      %get3A_81 = arith.index_cast %multiple_of3A : i32 to index
      %get3A_82 = arith.constant 0 : index
      %get3A_83 = vector.load %arg14[%get3A_81, %get3A_82] : memref<10240x192xf32, #tpu.memory_space<vmem>>, vector<8x192xf32>
      %slice3A_84 = vector.extract_strided_slice %get3A_83 {offsets = [0, 0], sizes = [1, 192], strides = [1, 1]} : vector<8x192xf32> to vector<1x192xf32>
      %dot_general3A_85 = arith.constant dense<0.000000e+00> : vector<1x192xf32>
      %dot_general3A_86 = tpu.matmul %scan3A_78, %get3A_48, %dot_general3A_85 {dimension_numbers = #tpu.dot_dimension_numbers<[1], [1], [0], [0], [0, 0, 1, 0], [], []>, transpose_lhs_hint = false} : vector<1x64xf32>, vector<192x64xf32>, vector<1x192xf32> -> vector<1x192xf32>
      %slice3A_87 = vector.extract_strided_slice %slice3A_84 {offsets = [0, 0], sizes = [1, 128], strides = [1, 1]} : vector<1x192xf32> to vector<1x128xf32>
      %slice3A_88 = vector.extract_strided_slice %dot_general3A_86 {offsets = [0, 0], sizes = [1, 128], strides = [1, 1]} : vector<1x192xf32> to vector<1x128xf32>
      %add3A_89 = arith.addf %slice3A_87, %slice3A_88 : vector<1x128xf32>
      %logistic3A = arith.negf %add3A_89 : vector<1x128xf32>
      %logistic3A_90 = math.exp %logistic3A : vector<1x128xf32>
      %logistic3A_91 = arith.constant 1.000000e+00 : f32
      %logistic3A_92 = vector.broadcast %logistic3A_91 : f32 to vector<1x128xf32>
      %logistic3A_93 = arith.addf %logistic3A_92, %logistic3A_90 : vector<1x128xf32>
      %logistic3A_94 = arith.divf %logistic3A_92, %logistic3A_93 : vector<1x128xf32>
      %slice3A_95 = vector.extract_strided_slice %logistic3A_94 {offsets = [0, 0], sizes = [1, 64], strides = [1, 1]} : vector<1x128xf32> to vector<1x64xf32>
      %slice3A_96 = vector.extract_strided_slice %logistic3A_94 {offsets = [0, 64], sizes = [1, 64], strides = [1, 1]} : vector<1x128xf32> to vector<1x64xf32>
      %slice3A_97 = vector.extract_strided_slice %slice3A_84 {offsets = [0, 128], sizes = [1, 64], strides = [1, 1]} : vector<1x192xf32> to vector<1x64xf32>
      %slice3A_98 = vector.extract_strided_slice %dot_general3A_86 {offsets = [0, 128], sizes = [1, 64], strides = [1, 1]} : vector<1x192xf32> to vector<1x64xf32>
      %add3A_99 = arith.addf %slice3A_98, %slice3A_49 : vector<1x64xf32>
      %mul3A_100 = arith.mulf %slice3A_95, %add3A_99 : vector<1x64xf32>
      %add3A_101 = arith.addf %slice3A_97, %mul3A_100 : vector<1x64xf32>
      %tanh3A = math.tanh %add3A_101 : vector<1x64xf32>
      %sub3A = arith.constant 1.000000e+00 : f32
      %sub3A_102 = vector.broadcast %sub3A : f32 to vector<1x64xf32>
      %sub3A_103 = arith.subf %sub3A_102, %slice3A_96 : vector<1x64xf32>
      %mul3A_104 = arith.mulf %sub3A_103, %tanh3A : vector<1x64xf32>
      %mul3A_105 = arith.mulf %slice3A_96, %scan3A_78 : vector<1x64xf32>
      %add3A_106 = arith.addf %mul3A_104, %mul3A_105 : vector<1x64xf32>
      %slice3A_107 = vector.extract_strided_slice %get3A_83 {offsets = [1, 0], sizes = [1, 192], strides = [1, 1]} : vector<8x192xf32> to vector<1x192xf32>
      %dot_general3A_108 = arith.constant dense<0.000000e+00> : vector<1x192xf32>
      %dot_general3A_109 = tpu.matmul %add3A_106, %get3A_48, %dot_general3A_108 {dimension_numbers = #tpu.dot_dimension_numbers<[1], [1], [0], [0], [0, 0, 1, 0], [], []>, transpose_lhs_hint = false} : vector<1x64xf32>, vector<192x64xf32>, vector<1x192xf32> -> vector<1x192xf32>
      %slice3A_110 = vector.extract_strided_slice %slice3A_107 {offsets = [0, 0], sizes = [1, 128], strides = [1, 1]} : vector<1x192xf32> to vector<1x128xf32>
      %slice3A_111 = vector.extract_strided_slice %dot_general3A_109 {offsets = [0, 0], sizes = [1, 128], strides = [1, 1]} : vector<1x192xf32> to vector<1x128xf32>
      %add3A_112 = arith.addf %slice3A_110, %slice3A_111 : vector<1x128xf32>
      %logistic3A_113 = arith.negf %add3A_112 : vector<1x128xf32>
      %logistic3A_114 = math.exp %logistic3A_113 : vector<1x128xf32>
      %logistic3A_115 = arith.constant 1.000000e+00 : f32
      %logistic3A_116 = vector.broadcast %logistic3A_115 : f32 to vector<1x128xf32>
      %logistic3A_117 = arith.addf %logistic3A_116, %logistic3A_114 : vector<1x128xf32>
      %logistic3A_118 = arith.divf %logistic3A_116, %logistic3A_117 : vector<1x128xf32>
      %slice3A_119 = vector.extract_strided_slice %logistic3A_118 {offsets = [0, 0], sizes = [1, 64], strides = [1, 1]} : vector<1x128xf32> to vector<1x64xf32>
      %slice3A_120 = vector.extract_strided_slice %logistic3A_118 {offsets = [0, 64], sizes = [1, 64], strides = [1, 1]} : vector<1x128xf32> to vector<1x64xf32>
      %slice3A_121 = vector.extract_strided_slice %slice3A_107 {offsets = [0, 128], sizes = [1, 64], strides = [1, 1]} : vector<1x192xf32> to vector<1x64xf32>
      %slice3A_122 = vector.extract_strided_slice %dot_general3A_109 {offsets = [0, 128], sizes = [1, 64], strides = [1, 1]} : vector<1x192xf32> to vector<1x64xf32>
      %add3A_123 = arith.addf %slice3A_122, %slice3A_49 : vector<1x64xf32>
      %mul3A_124 = arith.mulf %slice3A_119, %add3A_123 : vector<1x64xf32>
      %add3A_125 = arith.addf %slice3A_121, %mul3A_124 : vector<1x64xf32>
      %tanh3A_126 = math.tanh %add3A_125 : vector<1x64xf32>
      %sub3A_127 = arith.constant 1.000000e+00 : f32
      %sub3A_128 = vector.broadcast %sub3A_127 : f32 to vector<1x64xf32>
      %sub3A_129 = arith.subf %sub3A_128, %slice3A_120 : vector<1x64xf32>
      %mul3A_130 = arith.mulf %sub3A_129, %tanh3A_126 : vector<1x64xf32>
      %mul3A_131 = arith.mulf %slice3A_120, %add3A_106 : vector<1x64xf32>
      %add3A_132 = arith.addf %mul3A_130, %mul3A_131 : vector<1x64xf32>
      %slice3A_133 = vector.extract_strided_slice %get3A_83 {offsets = [2, 0], sizes = [1, 192], strides = [1, 1]} : vector<8x192xf32> to vector<1x192xf32>
      %dot_general3A_134 = arith.constant dense<0.000000e+00> : vector<1x192xf32>
      %dot_general3A_135 = tpu.matmul %add3A_132, %get3A_48, %dot_general3A_134 {dimension_numbers = #tpu.dot_dimension_numbers<[1], [1], [0], [0], [0, 0, 1, 0], [], []>, transpose_lhs_hint = false} : vector<1x64xf32>, vector<192x64xf32>, vector<1x192xf32> -> vector<1x192xf32>
      %slice3A_136 = vector.extract_strided_slice %slice3A_133 {offsets = [0, 0], sizes = [1, 128], strides = [1, 1]} : vector<1x192xf32> to vector<1x128xf32>
      %slice3A_137 = vector.extract_strided_slice %dot_general3A_135 {offsets = [0, 0], sizes = [1, 128], strides = [1, 1]} : vector<1x192xf32> to vector<1x128xf32>
      %add3A_138 = arith.addf %slice3A_136, %slice3A_137 : vector<1x128xf32>
      %logistic3A_139 = arith.negf %add3A_138 : vector<1x128xf32>
      %logistic3A_140 = math.exp %logistic3A_139 : vector<1x128xf32>
      %logistic3A_141 = arith.constant 1.000000e+00 : f32
      %logistic3A_142 = vector.broadcast %logistic3A_141 : f32 to vector<1x128xf32>
      %logistic3A_143 = arith.addf %logistic3A_142, %logistic3A_140 : vector<1x128xf32>
      %logistic3A_144 = arith.divf %logistic3A_142, %logistic3A_143 : vector<1x128xf32>
      %slice3A_145 = vector.extract_strided_slice %logistic3A_144 {offsets = [0, 0], sizes = [1, 64], strides = [1, 1]} : vector<1x128xf32> to vector<1x64xf32>
      %slice3A_146 = vector.extract_strided_slice %logistic3A_144 {offsets = [0, 64], sizes = [1, 64], strides = [1, 1]} : vector<1x128xf32> to vector<1x64xf32>
      %slice3A_147 = vector.extract_strided_slice %slice3A_133 {offsets = [0, 128], sizes = [1, 64], strides = [1, 1]} : vector<1x192xf32> to vector<1x64xf32>
      %slice3A_148 = vector.extract_strided_slice %dot_general3A_135 {offsets = [0, 128], sizes = [1, 64], strides = [1, 1]} : vector<1x192xf32> to vector<1x64xf32>
      %add3A_149 = arith.addf %slice3A_148, %slice3A_49 : vector<1x64xf32>
      %mul3A_150 = arith.mulf %slice3A_145, %add3A_149 : vector<1x64xf32>
      %add3A_151 = arith.addf %slice3A_147, %mul3A_150 : vector<1x64xf32>
      %tanh3A_152 = math.tanh %add3A_151 : vector<1x64xf32>
      %sub3A_153 = arith.constant 1.000000e+00 : f32
      %sub3A_154 = vector.broadcast %sub3A_153 : f32 to vector<1x64xf32>
      %sub3A_155 = arith.subf %sub3A_154, %slice3A_146 : vector<1x64xf32>
      %mul3A_156 = arith.mulf %sub3A_155, %tanh3A_152 : vector<1x64xf32>
      %mul3A_157 = arith.mulf %slice3A_146, %add3A_132 : vector<1x64xf32>
      %add3A_158 = arith.addf %mul3A_156, %mul3A_157 : vector<1x64xf32>
      %slice3A_159 = vector.extract_strided_slice %get3A_83 {offsets = [3, 0], sizes = [1, 192], strides = [1, 1]} : vector<8x192xf32> to vector<1x192xf32>
      %dot_general3A_160 = arith.constant dense<0.000000e+00> : vector<1x192xf32>
      %dot_general3A_161 = tpu.matmul %add3A_158, %get3A_48, %dot_general3A_160 {dimension_numbers = #tpu.dot_dimension_numbers<[1], [1], [0], [0], [0, 0, 1, 0], [], []>, transpose_lhs_hint = false} : vector<1x64xf32>, vector<192x64xf32>, vector<1x192xf32> -> vector<1x192xf32>
      %slice3A_162 = vector.extract_strided_slice %slice3A_159 {offsets = [0, 0], sizes = [1, 128], strides = [1, 1]} : vector<1x192xf32> to vector<1x128xf32>
      %slice3A_163 = vector.extract_strided_slice %dot_general3A_161 {offsets = [0, 0], sizes = [1, 128], strides = [1, 1]} : vector<1x192xf32> to vector<1x128xf32>
      %add3A_164 = arith.addf %slice3A_162, %slice3A_163 : vector<1x128xf32>
      %logistic3A_165 = arith.negf %add3A_164 : vector<1x128xf32>
      %logistic3A_166 = math.exp %logistic3A_165 : vector<1x128xf32>
      %logistic3A_167 = arith.constant 1.000000e+00 : f32
      %logistic3A_168 = vector.broadcast %logistic3A_167 : f32 to vector<1x128xf32>
      %logistic3A_169 = arith.addf %logistic3A_168, %logistic3A_166 : vector<1x128xf32>
      %logistic3A_170 = arith.divf %logistic3A_168, %logistic3A_169 : vector<1x128xf32>
      %slice3A_171 = vector.extract_strided_slice %logistic3A_170 {offsets = [0, 0], sizes = [1, 64], strides = [1, 1]} : vector<1x128xf32> to vector<1x64xf32>
      %slice3A_172 = vector.extract_strided_slice %logistic3A_170 {offsets = [0, 64], sizes = [1, 64], strides = [1, 1]} : vector<1x128xf32> to vector<1x64xf32>
      %slice3A_173 = vector.extract_strided_slice %slice3A_159 {offsets = [0, 128], sizes = [1, 64], strides = [1, 1]} : vector<1x192xf32> to vector<1x64xf32>
      %slice3A_174 = vector.extract_strided_slice %dot_general3A_161 {offsets = [0, 128], sizes = [1, 64], strides = [1, 1]} : vector<1x192xf32> to vector<1x64xf32>
      %add3A_175 = arith.addf %slice3A_174, %slice3A_49 : vector<1x64xf32>
      %mul3A_176 = arith.mulf %slice3A_171, %add3A_175 : vector<1x64xf32>
      %add3A_177 = arith.addf %slice3A_173, %mul3A_176 : vector<1x64xf32>
      %tanh3A_178 = math.tanh %add3A_177 : vector<1x64xf32>
      %sub3A_179 = arith.constant 1.000000e+00 : f32
      %sub3A_180 = vector.broadcast %sub3A_179 : f32 to vector<1x64xf32>
      %sub3A_181 = arith.subf %sub3A_180, %slice3A_172 : vector<1x64xf32>
      %mul3A_182 = arith.mulf %sub3A_181, %tanh3A_178 : vector<1x64xf32>
      %mul3A_183 = arith.mulf %slice3A_172, %add3A_158 : vector<1x64xf32>
      %add3A_184 = arith.addf %mul3A_182, %mul3A_183 : vector<1x64xf32>
      %slice3A_185 = vector.extract_strided_slice %get3A_83 {offsets = [4, 0], sizes = [1, 192], strides = [1, 1]} : vector<8x192xf32> to vector<1x192xf32>
      %dot_general3A_186 = arith.constant dense<0.000000e+00> : vector<1x192xf32>
      %dot_general3A_187 = tpu.matmul %add3A_184, %get3A_48, %dot_general3A_186 {dimension_numbers = #tpu.dot_dimension_numbers<[1], [1], [0], [0], [0, 0, 1, 0], [], []>, transpose_lhs_hint = false} : vector<1x64xf32>, vector<192x64xf32>, vector<1x192xf32> -> vector<1x192xf32>
      %slice3A_188 = vector.extract_strided_slice %slice3A_185 {offsets = [0, 0], sizes = [1, 128], strides = [1, 1]} : vector<1x192xf32> to vector<1x128xf32>
      %slice3A_189 = vector.extract_strided_slice %dot_general3A_187 {offsets = [0, 0], sizes = [1, 128], strides = [1, 1]} : vector<1x192xf32> to vector<1x128xf32>
      %add3A_190 = arith.addf %slice3A_188, %slice3A_189 : vector<1x128xf32>
      %logistic3A_191 = arith.negf %add3A_190 : vector<1x128xf32>
      %logistic3A_192 = math.exp %logistic3A_191 : vector<1x128xf32>
      %logistic3A_193 = arith.constant 1.000000e+00 : f32
      %logistic3A_194 = vector.broadcast %logistic3A_193 : f32 to vector<1x128xf32>
      %logistic3A_195 = arith.addf %logistic3A_194, %logistic3A_192 : vector<1x128xf32>
      %logistic3A_196 = arith.divf %logistic3A_194, %logistic3A_195 : vector<1x128xf32>
      %slice3A_197 = vector.extract_strided_slice %logistic3A_196 {offsets = [0, 0], sizes = [1, 64], strides = [1, 1]} : vector<1x128xf32> to vector<1x64xf32>
      %slice3A_198 = vector.extract_strided_slice %logistic3A_196 {offsets = [0, 64], sizes = [1, 64], strides = [1, 1]} : vector<1x128xf32> to vector<1x64xf32>
      %slice3A_199 = vector.extract_strided_slice %slice3A_185 {offsets = [0, 128], sizes = [1, 64], strides = [1, 1]} : vector<1x192xf32> to vector<1x64xf32>
      %slice3A_200 = vector.extract_strided_slice %dot_general3A_187 {offsets = [0, 128], sizes = [1, 64], strides = [1, 1]} : vector<1x192xf32> to vector<1x64xf32>
      %add3A_201 = arith.addf %slice3A_200, %slice3A_49 : vector<1x64xf32>
      %mul3A_202 = arith.mulf %slice3A_197, %add3A_201 : vector<1x64xf32>
      %add3A_203 = arith.addf %slice3A_199, %mul3A_202 : vector<1x64xf32>
      %tanh3A_204 = math.tanh %add3A_203 : vector<1x64xf32>
      %sub3A_205 = arith.constant 1.000000e+00 : f32
      %sub3A_206 = vector.broadcast %sub3A_205 : f32 to vector<1x64xf32>
      %sub3A_207 = arith.subf %sub3A_206, %slice3A_198 : vector<1x64xf32>
      %mul3A_208 = arith.mulf %sub3A_207, %tanh3A_204 : vector<1x64xf32>
      %mul3A_209 = arith.mulf %slice3A_198, %add3A_184 : vector<1x64xf32>
      %add3A_210 = arith.addf %mul3A_208, %mul3A_209 : vector<1x64xf32>
      %slice3A_211 = vector.extract_strided_slice %get3A_83 {offsets = [5, 0], sizes = [1, 192], strides = [1, 1]} : vector<8x192xf32> to vector<1x192xf32>
      %dot_general3A_212 = arith.constant dense<0.000000e+00> : vector<1x192xf32>
      %dot_general3A_213 = tpu.matmul %add3A_210, %get3A_48, %dot_general3A_212 {dimension_numbers = #tpu.dot_dimension_numbers<[1], [1], [0], [0], [0, 0, 1, 0], [], []>, transpose_lhs_hint = false} : vector<1x64xf32>, vector<192x64xf32>, vector<1x192xf32> -> vector<1x192xf32>
      %slice3A_214 = vector.extract_strided_slice %slice3A_211 {offsets = [0, 0], sizes = [1, 128], strides = [1, 1]} : vector<1x192xf32> to vector<1x128xf32>
      %slice3A_215 = vector.extract_strided_slice %dot_general3A_213 {offsets = [0, 0], sizes = [1, 128], strides = [1, 1]} : vector<1x192xf32> to vector<1x128xf32>
      %add3A_216 = arith.addf %slice3A_214, %slice3A_215 : vector<1x128xf32>
      %logistic3A_217 = arith.negf %add3A_216 : vector<1x128xf32>
      %logistic3A_218 = math.exp %logistic3A_217 : vector<1x128xf32>
      %logistic3A_219 = arith.constant 1.000000e+00 : f32
      %logistic3A_220 = vector.broadcast %logistic3A_219 : f32 to vector<1x128xf32>
      %logistic3A_221 = arith.addf %logistic3A_220, %logistic3A_218 : vector<1x128xf32>
      %logistic3A_222 = arith.divf %logistic3A_220, %logistic3A_221 : vector<1x128xf32>
      %slice3A_223 = vector.extract_strided_slice %logistic3A_222 {offsets = [0, 0], sizes = [1, 64], strides = [1, 1]} : vector<1x128xf32> to vector<1x64xf32>
      %slice3A_224 = vector.extract_strided_slice %logistic3A_222 {offsets = [0, 64], sizes = [1, 64], strides = [1, 1]} : vector<1x128xf32> to vector<1x64xf32>
      %slice3A_225 = vector.extract_strided_slice %slice3A_211 {offsets = [0, 128], sizes = [1, 64], strides = [1, 1]} : vector<1x192xf32> to vector<1x64xf32>
      %slice3A_226 = vector.extract_strided_slice %dot_general3A_213 {offsets = [0, 128], sizes = [1, 64], strides = [1, 1]} : vector<1x192xf32> to vector<1x64xf32>
      %add3A_227 = arith.addf %slice3A_226, %slice3A_49 : vector<1x64xf32>
      %mul3A_228 = arith.mulf %slice3A_223, %add3A_227 : vector<1x64xf32>
      %add3A_229 = arith.addf %slice3A_225, %mul3A_228 : vector<1x64xf32>
      %tanh3A_230 = math.tanh %add3A_229 : vector<1x64xf32>
      %sub3A_231 = arith.constant 1.000000e+00 : f32
      %sub3A_232 = vector.broadcast %sub3A_231 : f32 to vector<1x64xf32>
      %sub3A_233 = arith.subf %sub3A_232, %slice3A_224 : vector<1x64xf32>
      %mul3A_234 = arith.mulf %sub3A_233, %tanh3A_230 : vector<1x64xf32>
      %mul3A_235 = arith.mulf %slice3A_224, %add3A_210 : vector<1x64xf32>
      %add3A_236 = arith.addf %mul3A_234, %mul3A_235 : vector<1x64xf32>
      %slice3A_237 = vector.extract_strided_slice %get3A_83 {offsets = [6, 0], sizes = [1, 192], strides = [1, 1]} : vector<8x192xf32> to vector<1x192xf32>
      %dot_general3A_238 = arith.constant dense<0.000000e+00> : vector<1x192xf32>
      %dot_general3A_239 = tpu.matmul %add3A_236, %get3A_48, %dot_general3A_238 {dimension_numbers = #tpu.dot_dimension_numbers<[1], [1], [0], [0], [0, 0, 1, 0], [], []>, transpose_lhs_hint = false} : vector<1x64xf32>, vector<192x64xf32>, vector<1x192xf32> -> vector<1x192xf32>
      %slice3A_240 = vector.extract_strided_slice %slice3A_237 {offsets = [0, 0], sizes = [1, 128], strides = [1, 1]} : vector<1x192xf32> to vector<1x128xf32>
      %slice3A_241 = vector.extract_strided_slice %dot_general3A_239 {offsets = [0, 0], sizes = [1, 128], strides = [1, 1]} : vector<1x192xf32> to vector<1x128xf32>
      %add3A_242 = arith.addf %slice3A_240, %slice3A_241 : vector<1x128xf32>
      %logistic3A_243 = arith.negf %add3A_242 : vector<1x128xf32>
      %logistic3A_244 = math.exp %logistic3A_243 : vector<1x128xf32>
      %logistic3A_245 = arith.constant 1.000000e+00 : f32
      %logistic3A_246 = vector.broadcast %logistic3A_245 : f32 to vector<1x128xf32>
      %logistic3A_247 = arith.addf %logistic3A_246, %logistic3A_244 : vector<1x128xf32>
      %logistic3A_248 = arith.divf %logistic3A_246, %logistic3A_247 : vector<1x128xf32>
      %slice3A_249 = vector.extract_strided_slice %logistic3A_248 {offsets = [0, 0], sizes = [1, 64], strides = [1, 1]} : vector<1x128xf32> to vector<1x64xf32>
      %slice3A_250 = vector.extract_strided_slice %logistic3A_248 {offsets = [0, 64], sizes = [1, 64], strides = [1, 1]} : vector<1x128xf32> to vector<1x64xf32>
      %slice3A_251 = vector.extract_strided_slice %slice3A_237 {offsets = [0, 128], sizes = [1, 64], strides = [1, 1]} : vector<1x192xf32> to vector<1x64xf32>
      %slice3A_252 = vector.extract_strided_slice %dot_general3A_239 {offsets = [0, 128], sizes = [1, 64], strides = [1, 1]} : vector<1x192xf32> to vector<1x64xf32>
      %add3A_253 = arith.addf %slice3A_252, %slice3A_49 : vector<1x64xf32>
      %mul3A_254 = arith.mulf %slice3A_249, %add3A_253 : vector<1x64xf32>
      %add3A_255 = arith.addf %slice3A_251, %mul3A_254 : vector<1x64xf32>
      %tanh3A_256 = math.tanh %add3A_255 : vector<1x64xf32>
      %sub3A_257 = arith.constant 1.000000e+00 : f32
      %sub3A_258 = vector.broadcast %sub3A_257 : f32 to vector<1x64xf32>
      %sub3A_259 = arith.subf %sub3A_258, %slice3A_250 : vector<1x64xf32>
      %mul3A_260 = arith.mulf %sub3A_259, %tanh3A_256 : vector<1x64xf32>
      %mul3A_261 = arith.mulf %slice3A_250, %add3A_236 : vector<1x64xf32>
      %add3A_262 = arith.addf %mul3A_260, %mul3A_261 : vector<1x64xf32>
      %slice3A_263 = vector.extract_strided_slice %get3A_83 {offsets = [7, 0], sizes = [1, 192], strides = [1, 1]} : vector<8x192xf32> to vector<1x192xf32>
      %dot_general3A_264 = arith.constant dense<0.000000e+00> : vector<1x192xf32>
      %dot_general3A_265 = tpu.matmul %add3A_262, %get3A_48, %dot_general3A_264 {dimension_numbers = #tpu.dot_dimension_numbers<[1], [1], [0], [0], [0, 0, 1, 0], [], []>, transpose_lhs_hint = false} : vector<1x64xf32>, vector<192x64xf32>, vector<1x192xf32> -> vector<1x192xf32>
      %slice3A_266 = vector.extract_strided_slice %slice3A_263 {offsets = [0, 0], sizes = [1, 128], strides = [1, 1]} : vector<1x192xf32> to vector<1x128xf32>
      %slice3A_267 = vector.extract_strided_slice %dot_general3A_265 {offsets = [0, 0], sizes = [1, 128], strides = [1, 1]} : vector<1x192xf32> to vector<1x128xf32>
      %add3A_268 = arith.addf %slice3A_266, %slice3A_267 : vector<1x128xf32>
      %logistic3A_269 = arith.negf %add3A_268 : vector<1x128xf32>
      %logistic3A_270 = math.exp %logistic3A_269 : vector<1x128xf32>
      %logistic3A_271 = arith.constant 1.000000e+00 : f32
      %logistic3A_272 = vector.broadcast %logistic3A_271 : f32 to vector<1x128xf32>
      %logistic3A_273 = arith.addf %logistic3A_272, %logistic3A_270 : vector<1x128xf32>
      %logistic3A_274 = arith.divf %logistic3A_272, %logistic3A_273 : vector<1x128xf32>
      %slice3A_275 = vector.extract_strided_slice %logistic3A_274 {offsets = [0, 0], sizes = [1, 64], strides = [1, 1]} : vector<1x128xf32> to vector<1x64xf32>
      %slice3A_276 = vector.extract_strided_slice %logistic3A_274 {offsets = [0, 64], sizes = [1, 64], strides = [1, 1]} : vector<1x128xf32> to vector<1x64xf32>
      %slice3A_277 = vector.extract_strided_slice %slice3A_263 {offsets = [0, 128], sizes = [1, 64], strides = [1, 1]} : vector<1x192xf32> to vector<1x64xf32>
      %slice3A_278 = vector.extract_strided_slice %dot_general3A_265 {offsets = [0, 128], sizes = [1, 64], strides = [1, 1]} : vector<1x192xf32> to vector<1x64xf32>
      %add3A_279 = arith.addf %slice3A_278, %slice3A_49 : vector<1x64xf32>
      %mul3A_280 = arith.mulf %slice3A_275, %add3A_279 : vector<1x64xf32>
      %add3A_281 = arith.addf %slice3A_277, %mul3A_280 : vector<1x64xf32>
      %tanh3A_282 = math.tanh %add3A_281 : vector<1x64xf32>
      %sub3A_283 = arith.constant 1.000000e+00 : f32
      %sub3A_284 = vector.broadcast %sub3A_283 : f32 to vector<1x64xf32>
      %sub3A_285 = arith.subf %sub3A_284, %slice3A_276 : vector<1x64xf32>
      %mul3A_286 = arith.mulf %sub3A_285, %tanh3A_282 : vector<1x64xf32>
      %mul3A_287 = arith.mulf %slice3A_276, %add3A_262 : vector<1x64xf32>
      %add3A_288 = arith.addf %mul3A_286, %mul3A_287 : vector<1x64xf32>
      %concatenate3A_289 = tpu.concatenate %add3A_106, %add3A_132, %add3A_158, %add3A_184, %add3A_210, %add3A_236, %add3A_262, %add3A_288 in 0 : vector<1x64xf32>, vector<1x64xf32>, vector<1x64xf32>, vector<1x64xf32>, vector<1x64xf32>, vector<1x64xf32>, vector<1x64xf32>, vector<1x64xf32> -> vector<8x64xf32>
      %swap3A_290 = arith.index_cast %multiple_of3A : i32 to index
      %swap3A_291 = arith.constant 0 : index
      %swap3A_292 = vector.load %arg15[%swap3A_290, %swap3A_291] : memref<10240x64xf32, #tpu.memory_space<vmem>>, vector<8x64xf32>
      tpu.vector_store %arg15[%swap3A_290, %swap3A_291], %concatenate3A_289 {strides = array<i32>} : memref<10240x64xf32, #tpu.memory_space<vmem>>, vector<8x64xf32>,
      scf.yield %add3A_288 : vector<1x64xf32>
    }
    %scan3A_57 = arith.constant 1250 : i32
    %swap3A_58 = arith.constant 0 : index
    %swap3A_59 = arith.constant 0 : index
    %swap3A_60 = vector.load %arg13[%swap3A_58, %swap3A_59] : memref<1x64xf32, #tpu.memory_space<vmem>>, vector<1x64xf32>
    tpu.vector_store %arg13[%swap3A_58, %swap3A_59], %scan3A_56 {strides = array<i32>} : memref<1x64xf32, #tpu.memory_space<vmem>>, vector<1x64xf32>,
    %get3A_61 = arith.constant 0 : index
    %get3A_62 = arith.constant 0 : index
    %get3A_63 = vector.load %arg15[%get3A_61, %get3A_62] : memref<10240x64xf32, #tpu.memory_space<vmem>>, vector<10240x64xf32>
    %get3A_64 = arith.constant 0 : index
    %get3A_65 = arith.constant 0 : index
    %get3A_66 = vector.load %arg10[%get3A_64, %get3A_65] : memref<4x64xf32, #tpu.memory_space<vmem>>, vector<4x64xf32>
    %dot_general3A_67 = arith.constant dense<0.000000e+00> : vector<10240x4xf32>
    %dot_general3A_68 = tpu.matmul %get3A_63, %get3A_66, %dot_general3A_67 {dimension_numbers = #tpu.dot_dimension_numbers<[1], [1], [0], [0], [0, 0, 1, 0], [], []>, transpose_lhs_hint = false} : vector<10240x64xf32>, vector<4x64xf32>, vector<10240x4xf32> -> vector<10240x4xf32>
    %get3A_69 = arith.constant 0 : index
    %get3A_70 = arith.constant 0 : index
    %get3A_71 = vector.load %arg11[%get3A_69, %get3A_70] : memref<1x4xf32, #tpu.memory_space<vmem>>, vector<1x4xf32>
    %add3A_72 = vector.broadcast %get3A_71 : vector<1x4xf32> to vector<10240x4xf32>
    %add3A_73 = arith.addf %dot_general3A_68, %add3A_72 : vector<10240x4xf32>
    %swap3A_74 = arith.constant 0 : index
    %swap3A_75 = arith.constant 0 : index
    %swap3A_76 = vector.load %arg12[%swap3A_74, %swap3A_75] : memref<10240x4xf32, #tpu.memory_space<vmem>>, vector<10240x4xf32>
    tpu.vector_store %arg12[%swap3A_74, %swap3A_75], %add3A_73 {strides = array<i32>} : memref<10240x4xf32, #tpu.memory_space<vmem>>, vector<10240x4xf32>,
    return
  }
}

</mosaic_0001>

<sc_bundles>
// kernel: kernel.6.cloned.1.call-start
scs
__scs_entry_jumppad:
0x0: {  	(pc) =	sbr.rel $0x88, $3  }
0x1: {  	(tag) =	ssettag $0x0;
	lr =	simm.s32 $0x1  }
0x2: {  	[smem:$0x3F96] =	sst lr;
	_ =	strace $0xD0000000  }
0x3: {  	_ = 	snop  }
0x4: {  	_ = 	snop  }
0x5: {  	_ = 	snop  }
0x6: {  	_ = 	snop  }
0x7: {  	_ = 	snop  }
__scs_overlays_trampoline_lowered:
0x8: {  	[smem:$0x3FA5] =	sst s0  }
0x9: {  	[smem:$0x3FA6] =	sst s1  }
0xa: {  	[smem:$0x3FA7] =	sst s2  }
0xb: {  	[smem:$0x3FA8] =	sst s3  }
0xc: {  	[smem:$0x3FA9] =	sst s4  }
0xd: {  	[smem:$0x3FAA] =	sst s5  }
0xe: {  	[smem:$0x3FAB] =	sst s6  }
0xf: {  	[smem:$0x3FAC] =	sst s7  }
0x10: {  	[smem:$0x3FAD] =	sst s8  }
0x11: {  	[smem:$0x3FAE] =	sst s9;
	s0 =	simm.s32 @!p0 $0x0  }
0x12: {  	s1 =	sld [smem:$0x3F94];
	s0 =	simm.s32 @p0 $0x1  }
0x13: {  	[smem:$0x3FAF] =	sst s0;
	s0 =	simm.s32 @!p1 $0x0  }
0x14: {  	s2 =	sld [smem:$0x3F93];
	s0 =	simm.s32 @p1 $0x1  }
0x15: {  	[smem:$0x3FB0] =	sst s0;
	s0 =	simm.s32 @!p2 $0x0  }
0x16: {  	s3 =	sld [smem:$0x3FDB];
	s0 =	simm.s32 @p2 $0x1  }
0x17: {  	s4 =	simm.s32 $0x1BF5;
	[smem:$0x3FB2] =	sst s0  }
0x18: {  	s0 =	sld [smem:$0x3F95];
	_ =	swait.ge [sflag:s4], $0x0  }
0x19: {  	s7 =	sld [smem:$0x3F96]  }
0x1a: {  	s8 =	sadd.s32 $0xFFFFE003, lr  }
0x1b: {  	s9 =	sadd.s32 $0xFFFFFEF7, lr;
	s5 =	simm.s32 $0xFFFFFFFF;
	p2 =	slt.u32 s8, $0xFFFFF086  }
0x1c: {  	p1 =	slt.u32 s9, $0xF7A;
	s5 =	simm.s32 @!p2 $0x0  }
0x1d: {  	s5 =	simm.s32 @p1 $0x1;
	p0 =	seq.s32 s7, s2  }
0x1e: {  	s7 =	smul.u32 @!p0 $0xF7A, s2;
	p2 =	seq.s32 @!p0 s5, $0x0  }
0x1f: {  	s9 =	smul.u32 $0xF7A, s1;
	s8 =	simm.s32 @!p0 $0x1BF5;
	p2 =	por !p2, p0  }
0x20: {  	[sflag:s8] =	ssyncset.s32 @!p0 $0xFFFFF086;
	s6 =	sadd.s32 @!p0 s3, s7;
	s7 =	simm.s32 @!p0 $0x108  }
0x21: {  	s3 =	sadd.s32 s3, s9;
	s6 =	sadd.s32 @!p0 $0x88, s6;
	s7 =	simm.s32 @p2 $0x1082  }
0x22: {  	[simem:s7], [sflag:s8] =	dma.local @!p0 [hbm:s6], $0xF7A  }
0x23: {  	s9 =	sor.u32 $0xD0000000, s2;
	s6 =	simm.s32 $0x108;
	_ =	swait.ge @!p0 [sflag:s8], $0x0  }
0x24: {  	s3 =	sadd.s32 $0x88, s3;
	s6 =	simm.s32 @!p1 $0x1082;
	[sflag:s4] =	ssyncset.s32 $0xFFFFF086  }
0x25: {  	[simem:s6], [sflag:s4] =	dma.local [hbm:s3], $0xF7A  }
0x26: {  	[smem:$0x3F96] =	sst s1;
	(tag) =	ssettag s2;
	_ =	strace s9  }
0x27: {  	s1 =	sld [smem:$0x3FA6]  }
0x28: {  	s2 =	sld [smem:$0x3FA7]  }
0x29: {  	s4 =	sld [smem:$0x3FA9]  }
0x2a: {  	p0 =	seq.s32 s5, $0x0;
	s5 =	sld [smem:$0x3FAA]  }
0x2b: {  	s6 =	sld [smem:$0x3FAB]  }
0x2c: {  	s7 =	sld [smem:$0x3FAC]  }
0x2d: {  	s3 =	simm.s32 $0x108;
	s8 =	sld [smem:$0x3FAD]  }
0x2e: {  	s3 =	simm.s32 @!p0 $0x1082;
	s9 =	sld [smem:$0x3FAE]  }
0x2f: {  	lr =	sadd.s32 s0, s3;
	s0 =	sld [smem:$0x3FA5]  }
0x30: {  	s3 =	sld [smem:$0x3FA8]  }
0x31: {  	[smem:$0x3FB1] =	sst s10  }
0x32: {  	s10 =	sld [smem:$0x3FAF];
	_ =	sdelay $0x3  }
0x33: {  	p0 =	seq.s32 s10, $0x1;
	s10 =	sld [smem:$0x3FB1];
	_ =	sdelay $0x3  }
0x34: {  	[smem:$0x3FB1] =	sst s10  }
0x35: {  	s10 =	sld [smem:$0x3FB0];
	_ =	sdelay $0x3  }
0x36: {  	p1 =	seq.s32 s10, $0x1;
	s10 =	sld [smem:$0x3FB1];
	_ =	sdelay $0x3  }
0x37: {  	[smem:$0x3FB1] =	sst s10  }
0x38: {  	s10 =	sld [smem:$0x3FB2]  }
0x39: {  	_ = 	snop;
	(pc) =	sbr.ind lr, $3  }
0x3a: {  	_ = 	snop  }
0x3b: {  	_ = 	snop  }
0x3c: {  	p2 =	seq.s32 s10, $0x1;
	s10 =	sld [smem:$0x3FB1]  }
0x3d: {  	_ =	shalt  }
0x3e: {  	_ =	shalt  }
0x3f: {  	_ =	shalt  }
0x40: {  	_ =	shalt  }
0x41: {  	_ =	shalt  }
0x42: {  	_ =	shalt  }
0x43: {  	_ =	shalt  }
0x44: {  	_ =	shalt  }
0x45: {  	_ =	shalt  }
0x46: {  	_ =	shalt  }
0x47: {  	_ =	shalt  }
0x48: {  	_ =	shalt  }
0x49: {  	_ =	shalt  }
0x4a: {  	_ =	shalt  }
0x4b: {  	_ =	shalt  }
0x4c: {  	_ =	shalt  }
0x4d: {  	_ =	shalt  }
0x4e: {  	_ =	shalt  }
0x4f: {  	_ =	shalt  }
0x50: {  	_ =	shalt  }
0x51: {  	_ =	shalt  }
0x52: {  	_ =	shalt  }
0x53: {  	_ =	shalt  }
0x54: {  	_ =	shalt  }
0x55: {  	_ =	shalt  }
0x56: {  	_ =	shalt  }
0x57: {  	_ =	shalt  }
0x58: {  	_ =	shalt  }
0x59: {  	_ =	shalt  }
0x5a: {  	_ =	shalt  }
0x5b: {  	_ =	shalt  }
0x5c: {  	_ =	shalt  }
0x5d: {  	_ =	shalt  }
0x5e: {  	_ =	shalt  }
0x5f: {  	_ =	shalt  }
0x60: {  	_ =	shalt  }
0x61: {  	_ =	shalt  }
0x62: {  	_ =	shalt  }
0x63: {  	_ =	shalt  }
0x64: {  	_ =	shalt  }
0x65: {  	_ =	shalt  }
0x66: {  	_ =	shalt  }
0x67: {  	_ =	shalt  }
0x68: {  	_ =	shalt  }
0x69: {  	_ =	shalt  }
0x6a: {  	_ =	shalt  }
0x6b: {  	_ =	shalt  }
0x6c: {  	_ =	shalt  }
0x6d: {  	_ =	shalt  }
0x6e: {  	_ =	shalt  }
0x6f: {  	_ =	shalt  }
0x70: {  	_ =	shalt  }
0x71: {  	_ =	shalt  }
0x72: {  	_ =	shalt  }
0x73: {  	_ =	shalt  }
0x74: {  	_ =	shalt  }
0x75: {  	_ =	shalt  }
0x76: {  	_ =	shalt  }
0x77: {  	_ =	shalt  }
0x78: {  	_ =	shalt  }
0x79: {  	_ =	shalt  }
0x7a: {  	_ =	shalt  }
0x7b: {  	_ =	shalt  }
0x7c: {  	_ =	shalt  }
0x7d: {  	_ =	shalt  }
0x7e: {  	_ =	shalt  }
0x7f: {  	_ =	shalt  }
0x80: {  	_ =	shalt  }
0x81: {  	_ =	shalt  }
0x82: {  	_ =	shalt  }
0x83: {  	_ =	shalt  }
0x84: {  	_ =	shalt  }
0x85: {  	_ =	shalt  }
0x86: {  	_ =	shalt  }
0x87: {  	_ =	shalt  }
.Lfunc_end0:
.L_simem_size_0:
called_computation_lowered:
.L_overlay_start_0:
0x88: {  	s2 =	sld [smem:$0x3FD9]  }
0x89: {  	s3 =	sld [smem:$0x3FFE];
	_ =	sdelay $0x1  }
0x8a: {  	s1 =	srdreg.scid  }
0x8b: {  	s0 =	sand.u32 $0x1, s1  }
0x8c: {  	s14 =	sshll.u32 s0, $0xA;
	s2 =	sadd.s32 s3, s2  }
0x8d: {  	s2 =	sadd.s32 s2, s14  }
0x8e: {  	[smem:$0x3FBD] =	sst s2  }
0x8f: {  	_ = 	snop  }
0x90: {  	s2 =	sld [smem:$0x3FD0];
	_ =	sdelay $0x2  }
0x91: {  	s15 =	simm.s32 $0xA;
	s4 =	simm.s32 $0x10  }
0x92: {  	[smem:s4], [sflag:s15] =	dma.local [hbm:s2], $0x1  }
0x93: {  	_ =	swait.eq [sflag:s15], $0x1  }
0x94: {  	[sflag:s15] =	ssyncset.done $0x0  }
0x95: {  	[sflag:s15] =	ssyncadd.s32 $0xFFFFFFFF  }
0x96: {  	s16 =	sld [smem:$0x10];
	(tm) =	ssettm $0x1  }
0x97: {  	s17 =	sld [smem:$0x3FFB];
	_ =	sdelay $0x3  }
0x98: {  	_ =	strace s17  }
0x99: {  	s3 =	sld [smem:$0x3FFC];
	_ =	sdelay $0x3  }
0x9a: {  	_ =	strace s3  }
0x9b: {  	s3 =	sld [smem:$0x3FFD];
	_ =	sdelay $0x3  }
0x9c: {  	_ =	strace s3  }
0x9d: {  	_ =	strace $0x8FFFFFFF  }
0x9e: {  	s18 =	sld [smem:$0x3FDB];
	_ =	sdelay $0x1  }
0x9f: {  	s19 =	simm.s32 $_scs_section_size  }
0xa0: {  	s5 =	simm.s32 $_size__tile_overlayer_lowered;
	s6 =	simm.s32 $_tile_overlayer_lowered  }
0xa1: {  	s22 =	simm.s32 $0x1BFF;
	s21 =	sshll.u32 s6, $0x1;
	s3 =	sadd.s32 s19, s18  }
0xa2: {  	s7 =	simm.s32 $0x0;
	s20 =	sshll.u32 s5, $0x1;
	s5 =	sadd.s32 s21, s3  }
0xa3: {  	[timem:s7], [sflag:s22] =	dma.local [hbm:s5], s20  }
0xa4: {  	_ =	swait.ge [sflag:s22], s20  }
0xa5: {  	s4 =	ssub.s32 $0x0, s20;
	[sflag:s22] =	ssyncset.done $0x0  }
0xa6: {  	[sflag:s22] =	ssyncadd.s32 s4;
	_ =	sdelay $0x1  }
0xa7: {  	s23 =	simm.s32 $0x1B8B  }
0xa8: {  	_ =	swait.ge [sflag:s23], $0x1  }
0xa9: {  	[sflag:s23] =	ssyncset.done $0x0  }
0xaa: {  	s25 =	simm.s32 $0x1B8E;
	s24 =	sld [smem:$0x3FFE];
	[sflag:s23] =	ssyncadd.s32 $0xFFFFFFFF  }
0xab: {  	s26 =	simm.s32 $execute0_lowered;
	[smem:$0x3FD2] =	sst s25  }
0xac: {  	s5 =	sshll.u32 s26, $0x1;
	_ =	strace $0x80000046;
	[dreg:$0x1] =	wrdreg $0xFFFFFFFF  }
0xad: {  	s28 =	simm.s32 $_size_execute0_lowered;
	s3 =	sadd.s32 s3, s5;
	[dreg:$0x0] =	wrdreg $0x0  }
0xae: {  	s5 =	sshll.u32 s28, $0x1;
	[dreg:$0x2] =	wrdreg s3  }
0xaf: {  	[dreg:$0x3] =	wrdreg s5  }
0xb0: {  	[dreg:$0x4] =	wrdreg $0xC0  }
0xb1: {  	_ =	task [dreg:s7], $0x5FFFF  }
0xb2: {  	[dreg:$0x1] =	wrdreg $0xFFFFFFFF  }
0xb3: {  	[dreg:$0x0] =	wrdreg $0x60  }
0xb4: {  	[dreg:$0x2] =	wrdreg s24  }
0xb5: {  	[dreg:$0x3] =	wrdreg s16  }
0xb6: {  	[dreg:$0x4] =	wrdreg $0x8800  }
0xb7: {  	[dreg:$0x5] =	wrdreg $0x9  }
0xb8: {  	_ =	task.clear_ibuf [dreg:s7], $0x6FFFF;
	_ =	strace $0x90000046  }
0xb9: {  	s29 =	simm.s32 $0x9;
	_ =	strace $0x80000048  }
0xba: {  	_ =	swait.ge [sflag:s29], $0x1  }
0xbb: {  	[sflag:s29] =	ssyncadd.s32 $0xFFFFFFFF  }
0xbc: {  	_ =	strace $0x90000048  }
0xbd: {  	_ =	sfence  }
0xbe: {  	s30 =	sld [smem:$0x0];
	_ =	sdelay $0x2  }
0xbf: {  	s31 =	sshll.u32 s1, $0xD;
	s1 =	sshrl.u32 s1, $0x2  }
0xc0: {  	s3 =	sand.u32 $0x4000, s31;
	s1 =	sadd.s32 s1, s30  }
0xc1: {  	s0 =	sor.u32 s3, s0;
	s1 =	sshll.u32 s1, $0x11  }
0xc2: {  	s0 =	sor.u32 s1, s0  }
0xc3: {  	s0 =	sadd.s32 $0x8F2B, s0  }
0xc4: {  	[sflag:s0] =	ssyncadd.remote.s32 $0x1  }
0xc5: {  	_ =	sfence.sel $0xFFFF  }
0xc6: {  	[dreg:$0x0] =	wrdreg $0xFFFFFFFF;
	(pc) =	sbr.abs _section_cstart, $3  }
0xc7: {  	[dreg:$0x1] =	wrdreg $0xFFFFFFFF  }
0xc8: {  	_ =	task.clear_ibuf [dreg:s7], $0x2FFFF;
	_ =	strace $0x9FFFFFFF  }
0xc9: {  	(tm) =	ssettm $0x7FFFFFFF  }
tec
execute0_lowered:
.L_overlay_start_1:
0x0: {  	(tag) =	ssettag $0x1  }
0x1: {  	s5 =	rddreg [dreg:$0x0]  }
0x2: {  	s0 =	srdreg.scid;
	s2 =	rddreg [dreg:$0x1]  }
0x3: {  	s3 =	rddreg [dreg:$0x2];
	s6 =	sand.u32 $0x1, s0  }
0x4: {  	s0 =	stileid.u32;
	s7 =	smul.u32 $0x50000, s6  }
0x5: {  	s1 =	rddreg [dreg:$0x3];
	s8 =	smul.u32 $0x5000, s0  }
0x6: {  	s4 =	simm.s32 $0x0;
	s13 =	simm.s32 $0x0;
	s9 =	smul.u32 $0x2800, s0  }
0x7: {  	[smem:$0x7FF] =	sst s4;
	s26 =	smul.u32 $0x28000, s6;
	s6 =	ssub.s32 $0x2, s6  }
0x8: {  	_ =	strace $0x80000047;
	s31 =	sshll.u32 s0, $0x6;
	s30 =	sshrl.u32 s6, $0x1  }
0x9: {  	s7 =	sadd.s32 s8, s7;
	s28 =	sadd.s32 s9, s26;
	s29 =	sshrl.u32 s9, $0x3  }
0xa: {  	s11 =	ssub.s32 s6, s30;
	s12 =	sadd.s32 s9, s3;
	s7 =	sshrl.u32 s7, $0x3  }
0xb: {  	s9 =	simm.s32 $0x80;
	s10 =	sadd.s32 s7, s5;
	s7 =	sshrl.u32 s28, $0x3  }
0xc: {  	s8 =	sadd.s32 s29, s5;
	s12 =	sshrl.u32 s12, $0x3;
	s7 =	sadd.s32 s7, s5  }
0xd: {  	s5 =	sadd.s32 $0x16600, s8;
	s8 =	sadd.s32 $0x2600, s10;
	s10 =	simm.s32 $0x1  }
0xe: {  	s6 =	sadd.s32 $0x1B600, s7;
	s7 =	smax.u32 s11, $0x1;
	s11 =	sor.u32 $0x1C01, s31  }
.LBB2_1:
0xf: {  	[tilespmem:s9], [sflag:$0x1] =	stream.linear.gather [hbm4b:s2+s4], $0x800, $0x38;
	[tilespmem:$0x3080] =	vst v63  }
0x10: {  	_ =	swait.ge [sflag:s10], $0x800  }
0x11: {  	[sflag:s10] =	ssyncset.done $0x0  }
0x12: {  	[sflag:s10] =	ssyncadd.s32 $0xFFFFF800  }
0x13: {  	[spmem:s12], [sflag:s11] =	dma.local [hbm:s5], $0x500  }
0x14: {  	_ =	swait.ge [sflag:s10], $0x500  }
0x15: {  	[sflag:s10] =	ssyncset.done $0x0  }
0x16: {  	[sflag:s10] =	ssyncadd.s32 $0xFFFFFB00  }
0x17: {  	s14 =	sadd.s32 $0x0, s8;
	[bflag:$0x0] =	sbarrier.arrive $0xFFFF  }
0x18: {  	[tilespmem:s4], [sflag:$0x1] =	stream.linear.gather [hbm4b:s14+s4], $0x80, $0x38;
	[tilespmem:$0x3080] =	vst v63  }
0x19: {  	_ =	swait.ge [sflag:s10], $0x80  }
0x1a: {  	[sflag:s10] =	ssyncset.done $0x0  }
0x1b: {  	[sflag:s10] =	ssyncadd.s32 $0xFFFFFF80  }
0x1c: {  	[spmem:s3] =	stream.indirect.scatter.add.f32 [tilespmem:s9], [sflag:$0x1], $0x10, s4, s9, $0xb8;
	[tilespmem:$0x3080] =	vst v63  }
0x1d: {  	_ =	swait.ge [sflag:s10], $0x800  }
0x1e: {  	s15 =	simm.s32 $0x20;
	s14 =	simm.s32 $0x10;
	[sflag:s10] =	ssyncset.done $0x0  }
.LBB2_2:
0x1f: {  	s16 =	sadd.s32 s14, s8  }
0x20: {  	[sflag:s10] =	ssyncadd.s32 $0xFFFFF800;
	s14 =	smov.u32 s15;
	s17 =	sadd.s32 $0x10, s15  }
0x21: {  	[tilespmem:s4], [sflag:$0x1] =	stream.linear.gather [hbm4b:s16+s4], $0x80, $0x38;
	[tilespmem:$0x3080] =	vst v63  }
0x22: {  	p0 =	sne.s32 s15, $0x9F0;
	_ =	swait.ge [sflag:s10], $0x80  }
.Ltmp0:
0x23: {  	[sflag:s10] =	ssyncset.done $0x0;
	(pc) =	sbr.rel @p0 .LBB2_2-.Ltmp0, $4  }
0x24: {  	[sflag:s10] =	ssyncadd.s32 $0xFFFFFF80  }
0x25: {  	[spmem:s3] =	stream.indirect.scatter.add.f32 [tilespmem:s9], [sflag:$0x1], $0x10, s4, s9, $0xb8;
	[tilespmem:$0x3080] =	vst v63  }
0x26: {  	_ =	swait.ge [sflag:s10], $0x800  }
0x27: {  	s15 =	smov.u32 s17;
	[sflag:s10] =	ssyncset.done $0x0  }
0x28: {  	s14 =	sadd.s32 s14, s8;
	[sflag:s10] =	ssyncadd.s32 $0xFFFFF800  }
0x29: {  	[tilespmem:s4], [sflag:$0x1] =	stream.linear.gather [hbm4b:s14+s4], $0x80, $0x38;
	[tilespmem:$0x3080] =	vst v63  }
0x2a: {  	_ =	swait.ge [sflag:s10], $0x80  }
0x2b: {  	[sflag:s10] =	ssyncset.done $0x0  }
0x2c: {  	[sflag:s10] =	ssyncadd.s32 $0xFFFFFF80  }
0x2d: {  	[spmem:s3] =	stream.indirect.scatter.add.f32 [tilespmem:s9], [sflag:$0x1], $0x10, s4, s9, $0xb8;
	[tilespmem:$0x3080] =	vst v63  }
0x2e: {  	_ =	swait.ge [sflag:s10], $0x800  }
0x2f: {  	s13 =	sadd.s32 $0x1, s13;
	[sflag:s10] =	ssyncset.done $0x0  }
0x30: {  	p0 =	sne.s32 s13, s7;
	[sflag:s10] =	ssyncadd.s32 $0xFFFFF800  }
.Ltmp1:
0x31: {  	[bflag:$0x0] =	sbarrier.arrive $0xFFFF;
	(pc) =	sbr.rel @p0 .LBB2_1-.Ltmp1, $4  }
0x32: {  	[hbm:s6], [sflag:s11] =	dma.local [spmem:s12], $0x500  }
0x33: {  	_ =	swait.ge [sflag:s10], $0x500  }
0x34: {  	[sflag:s10] =	ssyncset.done $0x0  }
0x35: {  	[sflag:s10] =	ssyncadd.s32 $0xFFFFFB00  }
0x36: {  	_ =	sfence.sel $0x180000  }
0x37: {  	[bflag:$0x0] =	sbarrier.arrive $0xFFFF  }
0x38: {  	p0 =	sne.s32 s0, $0x0;
	_ =	strace $0x90000047  }
0x39: {  	s0 =	sadd.s32 @!p0 $0x100000, s1;
	[bflag:$0x2] =	sbarrier.arrive $0xFFFF  }
0x3a: {  	[sflag:s0] =	ssyncadd.tile.s32 @!p0 $0x1;
	_ =	shalt  }
.Lfunc_end2:
_tile_overlayer_lowered:
.L_overlay_start_2:
0x3b: {  	(tag) =	ssettag $0x2  }
0x3c: {  	s0 =	rddreg [dreg:$0x0];
	s2 =	stileid.u32  }
0x3d: {  	s1 =	rddreg [dreg:$0x1];
	p0 =	sne.s32 s2, $0x0  }
0x3e: {  	s3 =	rddreg [dreg:$0x2];
	[bflag:$0x3] =	sbarrier.arrive $0xFFFF;
	s2 =	simm.s32 @!p0 $0x1C01  }
0x3f: {  	[timem:s3], [sflag:s2] =	dma.local @!p0 [hbm:s0], s1  }
0x40: {  	s0 =	simm.s32 @!p0 $0x1  }
0x41: {  	_ =	swait.ge @!p0 [sflag:s0], s1  }
0x42: {  	s1 =	ssub.s32 @!p0 $0x0, s1;
	[sflag:s0] =	ssyncset.done @!p0 $0x0  }
0x43: {  	[sflag:s0] =	ssyncadd.s32 @!p0 s1  }
0x44: {  	[bflag:$0x3] =	sbarrier.arrive $0xFFFF  }
0x45: {  	_ =	shalt  }

// kernel: kernel.9.cloned.1.call-start
scs
__scs_entry_jumppad:
0x0: {  	(pc) =	sbr.rel $0x88, $3  }
0x1: {  	(tag) =	ssettag $0x0;
	lr =	simm.s32 $0x1  }
0x2: {  	[smem:$0x3F96] =	sst lr;
	_ =	strace $0xD0000000  }
0x3: {  	_ = 	snop  }
0x4: {  	_ = 	snop  }
0x5: {  	_ = 	snop  }
0x6: {  	_ = 	snop  }
0x7: {  	_ = 	snop  }
__scs_overlays_trampoline_lowered:
0x8: {  	[smem:$0x3FA5] =	sst s0  }
0x9: {  	[smem:$0x3FA6] =	sst s1  }
0xa: {  	[smem:$0x3FA7] =	sst s2  }
0xb: {  	[smem:$0x3FA8] =	sst s3  }
0xc: {  	[smem:$0x3FA9] =	sst s4  }
0xd: {  	[smem:$0x3FAA] =	sst s5  }
0xe: {  	[smem:$0x3FAB] =	sst s6  }
0xf: {  	[smem:$0x3FAC] =	sst s7  }
0x10: {  	[smem:$0x3FAD] =	sst s8  }
0x11: {  	[smem:$0x3FAE] =	sst s9;
	s0 =	simm.s32 @!p0 $0x0  }
0x12: {  	s1 =	sld [smem:$0x3F94];
	s0 =	simm.s32 @p0 $0x1  }
0x13: {  	[smem:$0x3FAF] =	sst s0;
	s0 =	simm.s32 @!p1 $0x0  }
0x14: {  	s2 =	sld [smem:$0x3F93];
	s0 =	simm.s32 @p1 $0x1  }
0x15: {  	[smem:$0x3FB0] =	sst s0;
	s0 =	simm.s32 @!p2 $0x0  }
0x16: {  	s3 =	sld [smem:$0x3FDB];
	s0 =	simm.s32 @p2 $0x1  }
0x17: {  	s4 =	simm.s32 $0x1BF5;
	[smem:$0x3FB2] =	sst s0  }
0x18: {  	s0 =	sld [smem:$0x3F95];
	_ =	swait.ge [sflag:s4], $0x0  }
0x19: {  	s7 =	sld [smem:$0x3F96]  }
0x1a: {  	s8 =	sadd.s32 $0xFFFFE003, lr  }
0x1b: {  	s9 =	sadd.s32 $0xFFFFFEF7, lr;
	s5 =	simm.s32 $0xFFFFFFFF;
	p2 =	slt.u32 s8, $0xFFFFF086  }
0x1c: {  	p1 =	slt.u32 s9, $0xF7A;
	s5 =	simm.s32 @!p2 $0x0  }
0x1d: {  	s5 =	simm.s32 @p1 $0x1;
	p0 =	seq.s32 s7, s2  }
0x1e: {  	s7 =	smul.u32 @!p0 $0xF7A, s2;
	p2 =	seq.s32 @!p0 s5, $0x0  }
0x1f: {  	s9 =	smul.u32 $0xF7A, s1;
	s8 =	simm.s32 @!p0 $0x1BF5;
	p2 =	por !p2, p0  }
0x20: {  	[sflag:s8] =	ssyncset.s32 @!p0 $0xFFFFF086;
	s6 =	sadd.s32 @!p0 s3, s7;
	s7 =	simm.s32 @!p0 $0x108  }
0x21: {  	s3 =	sadd.s32 s3, s9;
	s6 =	sadd.s32 @!p0 $0x88, s6;
	s7 =	simm.s32 @p2 $0x1082  }
0x22: {  	[simem:s7], [sflag:s8] =	dma.local @!p0 [hbm:s6], $0xF7A  }
0x23: {  	s9 =	sor.u32 $0xD0000000, s2;
	s6 =	simm.s32 $0x108;
	_ =	swait.ge @!p0 [sflag:s8], $0x0  }
0x24: {  	s3 =	sadd.s32 $0x88, s3;
	s6 =	simm.s32 @!p1 $0x1082;
	[sflag:s4] =	ssyncset.s32 $0xFFFFF086  }
0x25: {  	[simem:s6], [sflag:s4] =	dma.local [hbm:s3], $0xF7A  }
0x26: {  	[smem:$0x3F96] =	sst s1;
	(tag) =	ssettag s2;
	_ =	strace s9  }
0x27: {  	s1 =	sld [smem:$0x3FA6]  }
0x28: {  	s2 =	sld [smem:$0x3FA7]  }
0x29: {  	s4 =	sld [smem:$0x3FA9]  }
0x2a: {  	p0 =	seq.s32 s5, $0x0;
	s5 =	sld [smem:$0x3FAA]  }
0x2b: {  	s6 =	sld [smem:$0x3FAB]  }
0x2c: {  	s7 =	sld [smem:$0x3FAC]  }
0x2d: {  	s3 =	simm.s32 $0x108;
	s8 =	sld [smem:$0x3FAD]  }
0x2e: {  	s3 =	simm.s32 @!p0 $0x1082;
	s9 =	sld [smem:$0x3FAE]  }
0x2f: {  	lr =	sadd.s32 s0, s3;
	s0 =	sld [smem:$0x3FA5]  }
0x30: {  	s3 =	sld [smem:$0x3FA8]  }
0x31: {  	[smem:$0x3FB1] =	sst s10  }
0x32: {  	s10 =	sld [smem:$0x3FAF];
	_ =	sdelay $0x3  }
0x33: {  	p0 =	seq.s32 s10, $0x1;
	s10 =	sld [smem:$0x3FB1];
	_ =	sdelay $0x3  }
0x34: {  	[smem:$0x3FB1] =	sst s10  }
0x35: {  	s10 =	sld [smem:$0x3FB0];
	_ =	sdelay $0x3  }
0x36: {  	p1 =	seq.s32 s10, $0x1;
	s10 =	sld [smem:$0x3FB1];
	_ =	sdelay $0x3  }
0x37: {  	[smem:$0x3FB1] =	sst s10  }
0x38: {  	s10 =	sld [smem:$0x3FB2]  }
0x39: {  	_ = 	snop;
	(pc) =	sbr.ind lr, $3  }
0x3a: {  	_ = 	snop  }
0x3b: {  	_ = 	snop  }
0x3c: {  	p2 =	seq.s32 s10, $0x1;
	s10 =	sld [smem:$0x3FB1]  }
0x3d: {  	_ =	shalt  }
0x3e: {  	_ =	shalt  }
0x3f: {  	_ =	shalt  }
0x40: {  	_ =	shalt  }
0x41: {  	_ =	shalt  }
0x42: {  	_ =	shalt  }
0x43: {  	_ =	shalt  }
0x44: {  	_ =	shalt  }
0x45: {  	_ =	shalt  }
0x46: {  	_ =	shalt  }
0x47: {  	_ =	shalt  }
0x48: {  	_ =	shalt  }
0x49: {  	_ =	shalt  }
0x4a: {  	_ =	shalt  }
0x4b: {  	_ =	shalt  }
0x4c: {  	_ =	shalt  }
0x4d: {  	_ =	shalt  }
0x4e: {  	_ =	shalt  }
0x4f: {  	_ =	shalt  }
0x50: {  	_ =	shalt  }
0x51: {  	_ =	shalt  }
0x52: {  	_ =	shalt  }
0x53: {  	_ =	shalt  }
0x54: {  	_ =	shalt  }
0x55: {  	_ =	shalt  }
0x56: {  	_ =	shalt  }
0x57: {  	_ =	shalt  }
0x58: {  	_ =	shalt  }
0x59: {  	_ =	shalt  }
0x5a: {  	_ =	shalt  }
0x5b: {  	_ =	shalt  }
0x5c: {  	_ =	shalt  }
0x5d: {  	_ =	shalt  }
0x5e: {  	_ =	shalt  }
0x5f: {  	_ =	shalt  }
0x60: {  	_ =	shalt  }
0x61: {  	_ =	shalt  }
0x62: {  	_ =	shalt  }
0x63: {  	_ =	shalt  }
0x64: {  	_ =	shalt  }
0x65: {  	_ =	shalt  }
0x66: {  	_ =	shalt  }
0x67: {  	_ =	shalt  }
0x68: {  	_ =	shalt  }
0x69: {  	_ =	shalt  }
0x6a: {  	_ =	shalt  }
0x6b: {  	_ =	shalt  }
0x6c: {  	_ =	shalt  }
0x6d: {  	_ =	shalt  }
0x6e: {  	_ =	shalt  }
0x6f: {  	_ =	shalt  }
0x70: {  	_ =	shalt  }
0x71: {  	_ =	shalt  }
0x72: {  	_ =	shalt  }
0x73: {  	_ =	shalt  }
0x74: {  	_ =	shalt  }
0x75: {  	_ =	shalt  }
0x76: {  	_ =	shalt  }
0x77: {  	_ =	shalt  }
0x78: {  	_ =	shalt  }
0x79: {  	_ =	shalt  }
0x7a: {  	_ =	shalt  }
0x7b: {  	_ =	shalt  }
0x7c: {  	_ =	shalt  }
0x7d: {  	_ =	shalt  }
0x7e: {  	_ =	shalt  }
0x7f: {  	_ =	shalt  }
0x80: {  	_ =	shalt  }
0x81: {  	_ =	shalt  }
0x82: {  	_ =	shalt  }
0x83: {  	_ =	shalt  }
0x84: {  	_ =	shalt  }
0x85: {  	_ =	shalt  }
0x86: {  	_ =	shalt  }
0x87: {  	_ =	shalt  }
.Lfunc_end0:
.L_simem_size_0:
called_computation.1_lowered:
.L_overlay_start_0:
0x88: {  	s2 =	sld [smem:$0x3FD9]  }
0x89: {  	s3 =	sld [smem:$0x3FFE];
	_ =	sdelay $0x1  }
0x8a: {  	s1 =	srdreg.scid  }
0x8b: {  	s0 =	sand.u32 $0x1, s1  }
0x8c: {  	s16 =	sshll.u32 s0, $0xA;
	s2 =	sadd.s32 s3, s2  }
0x8d: {  	s2 =	sadd.s32 s2, s16  }
0x8e: {  	[smem:$0x3FBD] =	sst s2  }
0x8f: {  	_ = 	snop  }
0x90: {  	(tm) =	ssettm $0x1  }
0x91: {  	s17 =	sld [smem:$0x3FFB];
	_ =	sdelay $0x3  }
0x92: {  	_ =	strace s17  }
0x93: {  	s2 =	sld [smem:$0x3FFC];
	_ =	sdelay $0x3  }
0x94: {  	_ =	strace s2  }
0x95: {  	s2 =	sld [smem:$0x3FFD];
	_ =	sdelay $0x3  }
0x96: {  	_ =	strace s2  }
0x97: {  	_ =	strace $0x8FFFFFFF  }
0x98: {  	s18 =	sld [smem:$0x3FDB];
	_ =	sdelay $0x1  }
0x99: {  	s19 =	simm.s32 $_scs_section_size  }
0x9a: {  	s4 =	simm.s32 $_size__tile_overlayer_lowered;
	s5 =	simm.s32 $_tile_overlayer_lowered  }
0x9b: {  	s22 =	simm.s32 $0x1BFF;
	s21 =	sshll.u32 s5, $0x1;
	s2 =	sadd.s32 s19, s18  }
0x9c: {  	s6 =	simm.s32 $0x0;
	s20 =	sshll.u32 s4, $0x1;
	s4 =	sadd.s32 s21, s2  }
0x9d: {  	[timem:s6], [sflag:s22] =	dma.local [hbm:s4], s20  }
0x9e: {  	_ =	swait.ge [sflag:s22], s20  }
0x9f: {  	s3 =	ssub.s32 $0x0, s20;
	[sflag:s22] =	ssyncset.done $0x0  }
0xa0: {  	[sflag:s22] =	ssyncadd.s32 s3;
	_ =	sdelay $0x1  }
0xa1: {  	s23 =	simm.s32 $0x1B8B  }
0xa2: {  	_ =	swait.ge [sflag:s23], $0x1  }
0xa3: {  	[sflag:s23] =	ssyncset.done $0x0  }
0xa4: {  	s25 =	simm.s32 $0x1B8E;
	s24 =	sld [smem:$0x3FFE];
	[sflag:s23] =	ssyncadd.s32 $0xFFFFFFFF  }
0xa5: {  	s26 =	simm.s32 $execute0_lowered;
	[smem:$0x3FD2] =	sst s25  }
0xa6: {  	s4 =	sshll.u32 s26, $0x1;
	_ =	strace $0x80000049;
	[dreg:$0x1] =	wrdreg $0xFFFFFFFF  }
0xa7: {  	s28 =	simm.s32 $_size_execute0_lowered;
	s2 =	sadd.s32 s2, s4;
	[dreg:$0x0] =	wrdreg $0x0  }
0xa8: {  	s4 =	sshll.u32 s28, $0x1;
	[dreg:$0x2] =	wrdreg s2  }
0xa9: {  	[dreg:$0x3] =	wrdreg s4  }
0xaa: {  	[dreg:$0x4] =	wrdreg $0xC0  }
0xab: {  	_ =	task [dreg:s6], $0x5FFFF  }
0xac: {  	[dreg:$0x1] =	wrdreg $0xFFFFFFFF  }
0xad: {  	[dreg:$0x0] =	wrdreg $0x60  }
0xae: {  	[dreg:$0x2] =	wrdreg s24  }
0xaf: {  	[dreg:$0x3] =	wrdreg $0x9000  }
0xb0: {  	[dreg:$0x4] =	wrdreg $0x9  }
0xb1: {  	_ =	task.clear_ibuf [dreg:s6], $0x5FFFF;
	_ =	strace $0x90000049  }
0xb2: {  	s29 =	simm.s32 $0x9;
	_ =	strace $0x8000004B  }
0xb3: {  	_ =	swait.ge [sflag:s29], $0x1  }
0xb4: {  	[sflag:s29] =	ssyncadd.s32 $0xFFFFFFFF  }
0xb5: {  	_ =	strace $0x9000004B  }
0xb6: {  	_ =	sfence  }
0xb7: {  	s30 =	sld [smem:$0x0];
	_ =	sdelay $0x2  }
0xb8: {  	s31 =	sshll.u32 s1, $0xD;
	s1 =	sshrl.u32 s1, $0x2  }
0xb9: {  	s3 =	sand.u32 $0x4000, s31;
	s1 =	sadd.s32 s1, s30  }
0xba: {  	s0 =	sor.u32 s3, s0;
	s1 =	sshll.u32 s1, $0x11  }
0xbb: {  	s0 =	sor.u32 s1, s0  }
0xbc: {  	s0 =	sadd.s32 $0x8F2B, s0  }
0xbd: {  	[sflag:s0] =	ssyncadd.remote.s32 $0x1  }
0xbe: {  	_ =	sfence.sel $0xFFFF  }
0xbf: {  	[dreg:$0x0] =	wrdreg $0xFFFFFFFF;
	(pc) =	sbr.abs _section_cstart, $3  }
0xc0: {  	[dreg:$0x1] =	wrdreg $0xFFFFFFFF  }
0xc1: {  	_ =	task.clear_ibuf [dreg:s6], $0x2FFFF;
	_ =	strace $0x9FFFFFFF  }
0xc2: {  	(tm) =	ssettm $0x7FFFFFFF  }
0xc3: {  	_ =	shalt  }
tec
execute0_lowered:
.L_overlay_start_1:
0x0: {  	(tag) =	ssettag $0x1  }
0x1: {  	s5 =	rddreg [dreg:$0x0]  }
0x2: {  	s0 =	srdreg.scid;
	s2 =	rddreg [dreg:$0x1]  }
0x3: {  	s1 =	rddreg [dreg:$0x2];
	s3 =	simm.s32 $0x0;
	s6 =	sand.u32 $0x1, s0  }
0x4: {  	s13 =	simm.s32 $0x80;
	s0 =	stileid.u32;
	s4 =	smul.u32 $0x50000, s6  }
0x5: {  	s14 =	simm.s32 $0x100;
	s15 =	simm.s32 $0x1;
	s7 =	smul.u32 $0x5000, s0  }
0x6: {  	s16 =	simm.s32 $0x0;
	[smem:$0x7FF] =	sst s3;
	s8 =	smul.u32 $0x2800, s0  }
0x7: {  	s28 =	smul.u32 $0x28000, s6;
	_ =	strace $0x8000004A;
	s6 =	ssub.s32 $0x2, s6  }
0x8: {  	s31 =	sshll.u32 s0, $0x6;
	s30 =	sshrl.u32 s6, $0x1;
	s4 =	sadd.s32 s7, s4  }
0x9: {  	s7 =	sadd.s32 s8, s28;
	s29 =	sshrl.u32 s8, $0x3;
	s11 =	ssub.s32 s6, s30  }
0xa: {  	s12 =	sadd.s32 s8, s2;
	s6 =	sor.u32 $0x1C02, s31;
	s9 =	sshrl.u32 s4, $0x3  }
0xb: {  	s4 =	sadd.s32 $0x1B600, s5;
	s7 =	sshrl.u32 s7, $0x3;
	s8 =	smax.u32 s11, $0x1  }
0xc: {  	s11 =	sshrl.u32 s12, $0x3;
	s10 =	sadd.s32 s9, s5;
	s9 =	sadd.s32 s29, s5  }
0xd: {  	s12 =	simm.s32 $0x2;
	s7 =	sadd.s32 s7, s5;
	s5 =	sadd.s32 $0x16600, s9  }
0xe: {  	s7 =	sadd.s32 $0x39600, s7;
	s9 =	sadd.s32 $0x2600, s10;
	s10 =	sadd.s32 $0x25600, s10  }
.LBB2_1:
0xf: {  	[spmem:s11], [sflag:s6] =	dma.local [hbm:s5], $0x500  }
0x10: {  	_ =	swait.ge [sflag:s12], $0x500  }
0x11: {  	[sflag:s12] =	ssyncset.done $0x0  }
0x12: {  	[sflag:s12] =	ssyncadd.s32 $0xFFFFFB00  }
0x13: {  	s17 =	sadd.s32 $0x0, s10;
	[bflag:$0x0] =	sbarrier.arrive $0xFFFF  }
0x14: {  	[tilespmem:s3], [sflag:$0x2] =	stream.linear.gather [hbm4b:s17+s3], $0x80, $0x38;
	[tilespmem:$0x3100] =	vst v63  }
0x15: {  	_ =	swait.ge [sflag:s12], $0x80  }
0x16: {  	[sflag:s12] =	ssyncset.done $0x0  }
0x17: {  	[sflag:s12] =	ssyncadd.s32 $0xFFFFFF80  }
0x18: {  	[tilespmem:s14], [sflag:$0x1] =	stream.indirect.gather [hbm4b:s4+s13], $0x10, s3, s13, $0xb8;
	[tilespmem:$0x3100] =	vst v63  }
0x19: {  	_ =	swait.ge [sflag:s15], $0x800  }
0x1a: {  	[sflag:s15] =	ssyncset.done $0x0  }
0x1b: {  	s31 =	sadd.s32 $0x0, s9;
	[sflag:s15] =	ssyncadd.s32 $0xFFFFF800  }
0x1c: {  	[tilespmem:s13], [sflag:$0x2] =	stream.linear.gather [hbm4b:s31+s3], $0x80, $0x38;
	[tilespmem:$0x3100] =	vst v63  }
0x1d: {  	_ =	swait.ge [sflag:s12], $0x80  }
0x1e: {  	[sflag:s12] =	ssyncset.done $0x0  }
0x1f: {  	[sflag:s12] =	ssyncadd.s32 $0xFFFFFF80  }
0x20: {  	[spmem:s2] =	stream.indirect.scatter.add.f32 [tilespmem:s14], [sflag:$0x2], $0x10, s13, s13, $0xb8;
	[tilespmem:$0x3100] =	vst v63  }
0x21: {  	_ =	swait.ge [sflag:s12], $0x800  }
0x22: {  	s18 =	simm.s32 $0x20;
	s17 =	simm.s32 $0x10;
	[sflag:s12] =	ssyncset.done $0x0  }
.LBB2_2:
0x23: {  	s19 =	sadd.s32 s17, s10  }
0x24: {  	[sflag:s12] =	ssyncadd.s32 $0xFFFFF800;
	s20 =	smov.u32 s18;
	s21 =	sadd.s32 $0x10, s18  }
0x25: {  	[tilespmem:s3], [sflag:$0x2] =	stream.linear.gather [hbm4b:s19+s3], $0x80, $0x38;
	[tilespmem:$0x3100] =	vst v63  }
0x26: {  	p0 =	sne.s32 s18, $0x9F0;
	_ =	swait.ge [sflag:s12], $0x80  }
0x27: {  	[sflag:s12] =	ssyncset.done $0x0  }
0x28: {  	[sflag:s12] =	ssyncadd.s32 $0xFFFFFF80  }
0x29: {  	[tilespmem:s14], [sflag:$0x1] =	stream.indirect.gather [hbm4b:s4+s13], $0x10, s3, s13, $0xb8;
	[tilespmem:$0x3100] =	vst v63  }
0x2a: {  	_ =	swait.ge [sflag:s15], $0x800  }
0x2b: {  	[sflag:s15] =	ssyncset.done $0x0  }
0x2c: {  	s18 =	sadd.s32 s17, s9;
	s17 =	smov.u32 s20;
	[sflag:s15] =	ssyncadd.s32 $0xFFFFF800  }
0x2d: {  	[tilespmem:s13], [sflag:$0x2] =	stream.linear.gather [hbm4b:s18+s3], $0x80, $0x38;
	[tilespmem:$0x3100] =	vst v63  }
0x2e: {  	_ =	swait.ge [sflag:s12], $0x80  }
.Ltmp0:
0x2f: {  	[sflag:s12] =	ssyncset.done $0x0;
	(pc) =	sbr.rel @p0 .LBB2_2-.Ltmp0, $4  }
0x30: {  	[sflag:s12] =	ssyncadd.s32 $0xFFFFFF80  }
0x31: {  	[spmem:s2] =	stream.indirect.scatter.add.f32 [tilespmem:s14], [sflag:$0x2], $0x10, s13, s13, $0xb8;
	[tilespmem:$0x3100] =	vst v63  }
0x32: {  	_ =	swait.ge [sflag:s12], $0x800  }
0x33: {  	s18 =	smov.u32 s21;
	[sflag:s12] =	ssyncset.done $0x0  }
0x34: {  	s18 =	sadd.s32 s17, s10;
	[sflag:s12] =	ssyncadd.s32 $0xFFFFF800  }
0x35: {  	[tilespmem:s3], [sflag:$0x2] =	stream.linear.gather [hbm4b:s18+s3], $0x80, $0x38;
	[tilespmem:$0x3100] =	vst v63  }
0x36: {  	_ =	swait.ge [sflag:s12], $0x80  }
0x37: {  	[sflag:s12] =	ssyncset.done $0x0  }
0x38: {  	[sflag:s12] =	ssyncadd.s32 $0xFFFFFF80  }
0x39: {  	[tilespmem:s14], [sflag:$0x1] =	stream.indirect.gather [hbm4b:s4+s13], $0x10, s3, s13, $0xb8;
	[tilespmem:$0x3100] =	vst v63  }
0x3a: {  	_ =	swait.ge [sflag:s15], $0x800  }
0x3b: {  	[sflag:s15] =	ssyncset.done $0x0  }
0x3c: {  	s31 =	sadd.s32 s17, s9;
	[sflag:s15] =	ssyncadd.s32 $0xFFFFF800  }
0x3d: {  	[tilespmem:s13], [sflag:$0x2] =	stream.linear.gather [hbm4b:s31+s3], $0x80, $0x38;
	[tilespmem:$0x3100] =	vst v63  }
0x3e: {  	_ =	swait.ge [sflag:s12], $0x80  }
0x3f: {  	[sflag:s12] =	ssyncset.done $0x0  }
0x40: {  	[sflag:s12] =	ssyncadd.s32 $0xFFFFFF80  }
0x41: {  	[spmem:s2] =	stream.indirect.scatter.add.f32 [tilespmem:s14], [sflag:$0x2], $0x10, s13, s13, $0xb8;
	[tilespmem:$0x3100] =	vst v63  }
0x42: {  	_ =	swait.ge [sflag:s12], $0x800  }
0x43: {  	s16 =	sadd.s32 $0x1, s16;
	[sflag:s12] =	ssyncset.done $0x0  }
0x44: {  	p0 =	sne.s32 s16, s8;
	[sflag:s12] =	ssyncadd.s32 $0xFFFFF800  }
.Ltmp1:
0x45: {  	[bflag:$0x0] =	sbarrier.arrive $0xFFFF;
	(pc) =	sbr.rel @p0 .LBB2_1-.Ltmp1, $4  }
0x46: {  	[hbm:s7], [sflag:s6] =	dma.local [spmem:s11], $0x500  }
0x47: {  	_ =	swait.ge [sflag:s12], $0x500  }
0x48: {  	[sflag:s12] =	ssyncset.done $0x0  }
0x49: {  	[sflag:s12] =	ssyncadd.s32 $0xFFFFFB00  }
0x4a: {  	_ =	sfence.sel $0x180000  }
0x4b: {  	[bflag:$0x0] =	sbarrier.arrive $0xFFFF  }
0x4c: {  	p0 =	sne.s32 s0, $0x0;
	_ =	strace $0x9000004A  }
0x4d: {  	s0 =	sadd.s32 @!p0 $0x100000, s1;
	[bflag:$0x2] =	sbarrier.arrive $0xFFFF  }
0x4e: {  	[sflag:s0] =	ssyncadd.tile.s32 @!p0 $0x1;
	_ =	shalt  }
.Lfunc_end2:
_tile_overlayer_lowered:
.L_overlay_start_2:
0x4f: {  	(tag) =	ssettag $0x2  }
0x50: {  	s0 =	rddreg [dreg:$0x0];
	s2 =	stileid.u32  }
0x51: {  	s1 =	rddreg [dreg:$0x1];
	p0 =	sne.s32 s2, $0x0  }
0x52: {  	s3 =	rddreg [dreg:$0x2];
	[bflag:$0x3] =	sbarrier.arrive $0xFFFF;
	s2 =	simm.s32 @!p0 $0x1C02  }
0x53: {  	[timem:s3], [sflag:s2] =	dma.local @!p0 [hbm:s0], s1  }
0x54: {  	s0 =	simm.s32 @!p0 $0x2  }
0x55: {  	_ =	swait.ge @!p0 [sflag:s0], s1  }
0x56: {  	s1 =	ssub.s32 @!p0 $0x0, s1;
	[sflag:s0] =	ssyncset.done @!p0 $0x0  }
0x57: {  	[sflag:s0] =	ssyncadd.s32 @!p0 s1  }
0x58: {  	[bflag:$0x3] =	sbarrier.arrive $0xFFFF  }
0x59: {  	_ =	shalt  }

</sc_bundles>
